<compile_context>
chip_gen: v7x
topology: tpu7x:2x2x1
jax: 0.10.2.dev20260603
libtpu: 0.0.44.dev20260713+nightly
codegen_flags: <defaults>
</compile_context>

<pallas_src>
import functools

import jax
import jax.numpy as jnp
from jax import lax
from jax.experimental import pallas as pl
from jax.experimental.pallas import tpu as pltpu
from jax.experimental.pallas import tpu_sc as plsc

SEM_SZ = 4096 + 2
ACU_SZ = 2048 + 2
N_CB = 9
SEQ = 2048

NC, NS, L = 2, 16, 16
NW = NC * NS

CHUNK = 16
NBUF = 6
AHEAD = 4


@functools.lru_cache(maxsize=None)
def _build(b_tot, d):
    b_per_w = b_tot // NW
    n_chunks = b_per_w // CHUNK
    n_groups = b_per_w // L
    mesh = plsc.VectorSubcoreMesh(core_axis_name="c", subcore_axis_name="s")

    @functools.partial(
        pl.kernel,
        out_type=jax.ShapeDtypeStruct((b_tot, d), jnp.float32),
        mesh=mesh,
        scratch_types=[
            pltpu.VMEM((b_per_w,), jnp.int32),
            pltpu.VMEM((NBUF, CHUNK, d), jnp.float32),
            pltpu.SemaphoreType.DMA,
            pltpu.SemaphoreType.DMA,
        ],
    )
    def gather_kernel(ids_hbm, table_hbm, out_hbm, idx_v, rows_v, gsem, ssem):
        wid = lax.axis_index("s") * NC + lax.axis_index("c")
        base = wid * b_per_w

        pltpu.sync_copy(ids_hbm.at[pl.ds(base, b_per_w)], idx_v)

        def fix(k):
            for g in range(CHUNK // L):
                pos = base + k * CHUNK + g * L
                cb = (pos // SEQ) % N_CB
                off = jnp.where(cb == 0, 0, (SEM_SZ - ACU_SZ) + ACU_SZ * cb)
                s = k * CHUNK + g * L
                idx_v[pl.ds(s, L)] = idx_v[pl.ds(s, L)] + off

        def g_copy(k, b):
            return pltpu.make_async_copy(
                table_hbm.at[idx_v.at[pl.ds(k * CHUNK, CHUNK)]],
                rows_v.at[b],
                gsem,
            )

        def s_copy(k, b):
            return pltpu.make_async_copy(
                rows_v.at[b],
                out_hbm.at[pl.ds(base + k * CHUNK, CHUNK)],
                ssem,
            )

        for b in range(AHEAD):
            fix(b)
            g_copy(b, b).start()

        def outer(g, carry):
            for b in range(NBUF):
                k = g * NBUF + b
                nk = k + AHEAD
                nb = (b + AHEAD) % NBUF

                @pl.when(nk < n_chunks)
                def _():
                    fix(nk)

                    @pl.when(k >= NBUF - AHEAD)
                    def _():
                        s_copy(0, nb).wait()

                    g_copy(nk, nb).start()

                g_copy(k, b).wait()
                s_copy(k, b).start()
            return carry

        lax.fori_loop(0, n_chunks // NBUF, outer, 0)

        for j in range(NBUF):
            kk = n_chunks - 1 - j
            s_copy(kk, kk % NBUF).wait()

    return gather_kernel


def kernel(input_ids, emb_table):
    bsz, ncb, seq = input_ids.shape
    v, d = emb_table.shape
    ids = input_ids.reshape(-1).astype(jnp.int32)
    out = _build(bsz * ncb * seq, d)(ids, emb_table)
    return out.reshape(bsz, ncb, seq, d)

# --- scband reference (transcript-rebuilt; emitter-appended) ---
"""Pipeline reference for scband-multi-vocab-embeddings-1219770712163 (READ-ONLY COPY).

The authoritative reference and input builder live on the scoring server;
editing this copy changes nothing except your own understanding.
"""

import jax, jax.numpy as jnp
import numpy as np

SEMANTIC_CB = 4096
ACOUSTIC_CB = 2048
N_ACOUSTIC = 8
N_SPECIAL = 2  # [EMPTY_AUDIO], [END_AUDIO]
EMBED_DIM = 1024
BATCH = 2
SEQ = 2048

def _codebook_sizes():
    # get_codebook_sizes(pad_to_multiple=None, include_special_tokens=True)
    return [SEMANTIC_CB + N_SPECIAL] + [ACOUSTIC_CB + N_SPECIAL] * N_ACOUSTIC

def _padded_vocab():
    total = sum(_codebook_sizes())
    return 128 * ((total + 127) // 128)

def setup_inputs(seed: int = 0) -> dict:
    key = jax.random.key(seed)
    k1, k2 = jax.random.split(key)
    n_codebooks = 1 + N_ACOUSTIC
    # per-codebook ids; smallest codebook (with specials) has 2050 entries,
    # so ids in [0, 2050) are valid for every codebook after offsetting
    input_ids = jax.random.randint(k1, (BATCH, n_codebooks, SEQ), 0, ACOUSTIC_CB + N_SPECIAL, dtype=jnp.int64)
    emb_table = jax.random.normal(k2, (_padded_vocab(), EMBED_DIM), dtype=jnp.float32)
    return {"input_ids": input_ids, "emb_table": emb_table}

def reference(input_ids, emb_table):
    sizes = _codebook_sizes()
    offsets = jnp.asarray(np.cumsum([0] + sizes[:-1]), dtype=input_ids.dtype)
    ids = input_ids + offsets[None, :, None]
    return jnp.take(emb_table, ids, axis=0)

if __name__ == "__main__":
    import jax
    _d = setup_inputs()
    print(jax.jit(kernel)(*tuple(_d.values())))

</pallas_src>

<mosaic_0001>
#map = affine_map<(d0, d1) -> (0)>
#map1 = affine_map<(d0, d1) -> (0, 0)>
module attributes {stable_mosaic.version = 14 : i64} {
  func.func @gather_kernel(%arg0: i32, %arg1: i32, %arg2: memref<36864xi32, #tpu.memory_space<hbm>>, %arg3: memref<20608x1024xf32, #tpu.memory_space<hbm>>, %arg4: memref<36864x1024xf32, #tpu.memory_space<hbm>>, %arg5: memref<1152xi32, #tpu.memory_space<vmem>>, %arg6: memref<6x16x1024xf32, #tpu.memory_space<vmem>>, %arg7: memref<!tpu.dma_semaphore, #tpu.memory_space<semaphore_mem>>, %arg8: memref<!tpu.dma_semaphore, #tpu.memory_space<semaphore_mem>>) attributes {dimension_semantics = [#tpu.dimension_semantics<core_parallel>, #tpu.dimension_semantics<subcore_parallel>], iteration_bounds = array<i64: 2, 16>, scalar_prefetch = 0 : i64, scratch_operands = 4 : i64, tpu.core_type = #tpu.core_type<sc_vector_subcore>, window_params = [{transform_indices = #map}, {transform_indices = #map1}, {transform_indices = #map1}]} {
    %mul3A = arith.constant 2 : i32
    %mul3A_0 = arith.muli %arg1, %mul3A : i32
    %add3A = arith.addi %mul3A_0, %arg0 : i32
    %mul3A_1 = arith.constant 1152 : i32
    %mul3A_2 = arith.muli %add3A, %mul3A_1 : i32
    "tpu.region"() ({
      %run_scoped3A = tpu.sem_alloc : memref<!tpu.dma_semaphore, #tpu.memory_space<semaphore_mem>>
      %dma_start3A_368 = tpu.memref_slice %arg2[%mul3A_2] : memref<36864xi32, #tpu.memory_space<hbm>> -> memref<1152xi32, #tpu.memory_space<hbm>>
      %dma_start3A_369 = tpu.memref_slice %arg2[%mul3A_2] : memref<36864xi32, #tpu.memory_space<hbm>> -> memref<1152xi32, #tpu.memory_space<hbm>>
      tpu.enqueue_dma source(%dma_start3A_369 : memref<1152xi32, #tpu.memory_space<hbm>>) target(%arg5 : memref<1152xi32, #tpu.memory_space<vmem>>) target_semaphore(%run_scoped3A : memref<!tpu.dma_semaphore, #tpu.memory_space<semaphore_mem>>)
      %dma_wait3A_370 = tpu.memref_slice %arg2[%mul3A_2] : memref<36864xi32, #tpu.memory_space<hbm>> -> memref<1152xi32, #tpu.memory_space<hbm>>
      %dma_wait3A_371 = tpu.memref_slice %arg2[%mul3A_2] : memref<36864xi32, #tpu.memory_space<hbm>> -> memref<1152xi32, #tpu.memory_space<hbm>>
      tpu.wait_dma2 semaphore(%run_scoped3A : memref<!tpu.dma_semaphore, #tpu.memory_space<semaphore_mem>>) src(%dma_wait3A_371 : memref<1152xi32, #tpu.memory_space<hbm>>) dst(%arg5 : memref<1152xi32, #tpu.memory_space<vmem>>)
      tpu.yield
    }) : () -> ()
    %add3A_3 = arith.constant 0 : i32
    %add3A_4 = arith.addi %mul3A_2, %add3A_3 : i32
    %add3A_5 = arith.constant 0 : i32
    %add3A_6 = arith.addi %add3A_4, %add3A_5 : i32
    %jit3A = arith.constant 2048 : i32
    %div3A = arith.divsi %add3A_6, %jit3A : i32
    %sign3A = arith.constant 0 : i32
    %sign3A_7 = arith.cmpi sgt, %add3A_6, %sign3A : i32
    %sign3A_8 = arith.extui %sign3A_7 : i1 to i32
    %sign3A_9 = arith.constant 0 : i32
    %sign3A_10 = arith.cmpi slt, %add3A_6, %sign3A_9 : i32
    %sign3A_11 = arith.extui %sign3A_10 : i1 to i32
    %sign3A_12 = arith.subi %sign3A_8, %sign3A_11 : i32
    %sign3A_13 = arith.constant 0 : i32
    %sign3A_14 = arith.cmpi sgt, %jit3A, %sign3A_13 : i32
    %sign3A_15 = arith.extui %sign3A_14 : i1 to i32
    %sign3A_16 = arith.constant 0 : i32
    %sign3A_17 = arith.cmpi slt, %jit3A, %sign3A_16 : i32
    %sign3A_18 = arith.extui %sign3A_17 : i1 to i32
    %sign3A_19 = arith.subi %sign3A_15, %sign3A_18 : i32
    %ne3A = arith.cmpi ne, %sign3A_12, %sign3A_19 : i32
    %rem3A = arith.remsi %add3A_6, %jit3A : i32
    %ne3A_20 = arith.constant 0 : i32
    %ne3A_21 = arith.cmpi ne, %rem3A, %ne3A_20 : i32
    %and3A = arith.andi %ne3A, %ne3A_21 : i1
    %sub3A = arith.constant 1 : i32
    %sub3A_22 = arith.subi %div3A, %sub3A : i32
    %select_n3A = arith.select %and3A, %sub3A_22, %div3A : i32
    %jit3A_23 = arith.constant 9 : i32
    %eq3A = arith.constant 0 : i32
    %eq3A_24 = arith.cmpi eq, %jit3A_23, %eq3A : i32
    %jit3A_25 = arith.constant 1 : i32
    %select_n3A_26 = arith.select %eq3A_24, %jit3A_25, %jit3A_23 : i32
    %rem3A_27 = arith.remsi %select_n3A, %select_n3A_26 : i32
    %ne3A_28 = arith.constant 0 : i32
    %ne3A_29 = arith.cmpi ne, %rem3A_27, %ne3A_28 : i32
    %lt3A = arith.constant 0 : i32
    %lt3A_30 = arith.cmpi slt, %rem3A_27, %lt3A : i32
    %lt3A_31 = arith.constant 0 : i32
    %lt3A_32 = arith.cmpi slt, %select_n3A_26, %lt3A_31 : i32
    %ne3A_33 = arith.xori %lt3A_30, %lt3A_32 : i1
    %and3A_34 = arith.andi %ne3A_33, %ne3A_29 : i1
    %add3A_35 = arith.addi %rem3A_27, %select_n3A_26 : i32
    %select_n3A_36 = arith.select %and3A_34, %add3A_35, %rem3A_27 : i32
    %eq3A_37 = arith.constant 0 : i32
    %eq3A_38 = arith.cmpi eq, %select_n3A_36, %eq3A_37 : i32
    %mul3A_39 = arith.constant 2050 : i32
    %mul3A_40 = arith.muli %mul3A_39, %select_n3A_36 : i32
    %add3A_41 = arith.constant 2048 : i32
    %add3A_42 = arith.addi %add3A_41, %mul3A_40 : i32
    %jit3A_43 = arith.constant 0 : i32
    %select_n3A_44 = arith.select %eq3A_38, %jit3A_43, %add3A_42 : i32
    %get3A = arith.constant 0 : index
    %get3A_45 = tpu.vector_load %arg5[%get3A] {strides = array<i32>} : memref<1152xi32, #tpu.memory_space<vmem>>, vector<16xi32>,
    %get3A_46 = vector.shape_cast %get3A_45 : vector<16xi32> to vector<16xi32>
    %add3A_47 = vector.broadcast %select_n3A_44 : i32 to vector<16xi32>
    %add3A_48 = arith.addi %get3A_46, %add3A_47 : vector<16xi32>
    %swap3A = arith.constant 0 : index
    %swap3A_49 = tpu.vector_load %arg5[%swap3A] {strides = array<i32>} : memref<1152xi32, #tpu.memory_space<vmem>>, vector<16xi32>,
    %swap3A_50 = vector.shape_cast %swap3A_49 : vector<16xi32> to vector<16xi32>
    %swap3A_51 = vector.shape_cast %add3A_48 : vector<16xi32> to vector<16xi32>
    tpu.vector_store %arg5[%swap3A], %swap3A_51 {strides = array<i32>} : memref<1152xi32, #tpu.memory_space<vmem>>, vector<16xi32>,
    %dma_start3A = arith.constant 0 : i32
    %dma_start3A_52 = arith.constant 0 : i32
    %dma_start3A_53 = arith.constant 0 : i32
    %dma_start3A_54 = tpu.memref_slice %arg6[%dma_start3A, %dma_start3A_52, %dma_start3A_53] : memref<6x16x1024xf32, #tpu.memory_space<vmem>> -> memref<1x16x1024xf32, #tpu.memory_space<vmem>>
    %dma_start3A_55 = tpu.memref_squeeze %dma_start3A_54 : memref<1x16x1024xf32, #tpu.memory_space<vmem>> -> memref<16x1024xf32, #tpu.memory_space<vmem>>
    %dma_start3A_56 = arith.constant 0 : i32
    %dma_start3A_57 = tpu.memref_slice %arg5[%dma_start3A_56] : memref<1152xi32, #tpu.memory_space<vmem>> -> memref<16xi32, #tpu.memory_space<vmem>>
    %dma_start3A_58 = arith.constant 0 : i32
    %dma_start3A_59 = arith.constant 0 : i32
    %dma_start3A_60 = tpu.memref_slice %arg3[%dma_start3A_58, %dma_start3A_59] : memref<20608x1024xf32, #tpu.memory_space<hbm>> -> memref<20608x1024xf32, #tpu.memory_space<hbm>>
    tpu.enqueue_indirect_dma source(%dma_start3A_60 : memref<20608x1024xf32, #tpu.memory_space<hbm>>) target(%dma_start3A_55 : memref<16x1024xf32, #tpu.memory_space<vmem>>) offsets(%dma_start3A_57 : memref<16xi32, #tpu.memory_space<vmem>>) semaphore(%arg7 : memref<!tpu.dma_semaphore, #tpu.memory_space<semaphore_mem>>)
    %add3A_61 = arith.constant 16 : i32
    %add3A_62 = arith.addi %mul3A_2, %add3A_61 : i32
    %add3A_63 = arith.constant 0 : i32
    %add3A_64 = arith.addi %add3A_62, %add3A_63 : i32
    %jit3A_65 = arith.constant 2048 : i32
    %div3A_66 = arith.divsi %add3A_64, %jit3A_65 : i32
    %sign3A_67 = arith.constant 0 : i32
    %sign3A_68 = arith.cmpi sgt, %add3A_64, %sign3A_67 : i32
    %sign3A_69 = arith.extui %sign3A_68 : i1 to i32
    %sign3A_70 = arith.constant 0 : i32
    %sign3A_71 = arith.cmpi slt, %add3A_64, %sign3A_70 : i32
    %sign3A_72 = arith.extui %sign3A_71 : i1 to i32
    %sign3A_73 = arith.subi %sign3A_69, %sign3A_72 : i32
    %sign3A_74 = arith.constant 0 : i32
    %sign3A_75 = arith.cmpi sgt, %jit3A_65, %sign3A_74 : i32
    %sign3A_76 = arith.extui %sign3A_75 : i1 to i32
    %sign3A_77 = arith.constant 0 : i32
    %sign3A_78 = arith.cmpi slt, %jit3A_65, %sign3A_77 : i32
    %sign3A_79 = arith.extui %sign3A_78 : i1 to i32
    %sign3A_80 = arith.subi %sign3A_76, %sign3A_79 : i32
    %ne3A_81 = arith.cmpi ne, %sign3A_73, %sign3A_80 : i32
    %rem3A_82 = arith.remsi %add3A_64, %jit3A_65 : i32
    %ne3A_83 = arith.constant 0 : i32
    %ne3A_84 = arith.cmpi ne, %rem3A_82, %ne3A_83 : i32
    %and3A_85 = arith.andi %ne3A_81, %ne3A_84 : i1
    %sub3A_86 = arith.constant 1 : i32
    %sub3A_87 = arith.subi %div3A_66, %sub3A_86 : i32
    %select_n3A_88 = arith.select %and3A_85, %sub3A_87, %div3A_66 : i32
    %jit3A_89 = arith.constant 9 : i32
    %eq3A_90 = arith.constant 0 : i32
    %eq3A_91 = arith.cmpi eq, %jit3A_89, %eq3A_90 : i32
    %jit3A_92 = arith.constant 1 : i32
    %select_n3A_93 = arith.select %eq3A_91, %jit3A_92, %jit3A_89 : i32
    %rem3A_94 = arith.remsi %select_n3A_88, %select_n3A_93 : i32
    %ne3A_95 = arith.constant 0 : i32
    %ne3A_96 = arith.cmpi ne, %rem3A_94, %ne3A_95 : i32
    %lt3A_97 = arith.constant 0 : i32
    %lt3A_98 = arith.cmpi slt, %rem3A_94, %lt3A_97 : i32
    %lt3A_99 = arith.constant 0 : i32
    %lt3A_100 = arith.cmpi slt, %select_n3A_93, %lt3A_99 : i32
    %ne3A_101 = arith.xori %lt3A_98, %lt3A_100 : i1
    %and3A_102 = arith.andi %ne3A_101, %ne3A_96 : i1
    %add3A_103 = arith.addi %rem3A_94, %select_n3A_93 : i32
    %select_n3A_104 = arith.select %and3A_102, %add3A_103, %rem3A_94 : i32
    %eq3A_105 = arith.constant 0 : i32
    %eq3A_106 = arith.cmpi eq, %select_n3A_104, %eq3A_105 : i32
    %mul3A_107 = arith.constant 2050 : i32
    %mul3A_108 = arith.muli %mul3A_107, %select_n3A_104 : i32
    %add3A_109 = arith.constant 2048 : i32
    %add3A_110 = arith.addi %add3A_109, %mul3A_108 : i32
    %jit3A_111 = arith.constant 0 : i32
    %select_n3A_112 = arith.select %eq3A_106, %jit3A_111, %add3A_110 : i32
    %get3A_113 = arith.constant 16 : index
    %get3A_114 = tpu.vector_load %arg5[%get3A_113] {strides = array<i32>} : memref<1152xi32, #tpu.memory_space<vmem>>, vector<16xi32>,
    %get3A_115 = vector.shape_cast %get3A_114 : vector<16xi32> to vector<16xi32>
    %add3A_116 = vector.broadcast %select_n3A_112 : i32 to vector<16xi32>
    %add3A_117 = arith.addi %get3A_115, %add3A_116 : vector<16xi32>
    %swap3A_118 = arith.constant 16 : index
    %swap3A_119 = tpu.vector_load %arg5[%swap3A_118] {strides = array<i32>} : memref<1152xi32, #tpu.memory_space<vmem>>, vector<16xi32>,
    %swap3A_120 = vector.shape_cast %swap3A_119 : vector<16xi32> to vector<16xi32>
    %swap3A_121 = vector.shape_cast %add3A_117 : vector<16xi32> to vector<16xi32>
    tpu.vector_store %arg5[%swap3A_118], %swap3A_121 {strides = array<i32>} : memref<1152xi32, #tpu.memory_space<vmem>>, vector<16xi32>,
    %dma_start3A_122 = arith.constant 1 : i32
    %dma_start3A_123 = arith.constant 0 : i32
    %dma_start3A_124 = arith.constant 0 : i32
    %dma_start3A_125 = tpu.memref_slice %arg6[%dma_start3A_122, %dma_start3A_123, %dma_start3A_124] : memref<6x16x1024xf32, #tpu.memory_space<vmem>> -> memref<1x16x1024xf32, #tpu.memory_space<vmem>>
    %dma_start3A_126 = tpu.memref_squeeze %dma_start3A_125 : memref<1x16x1024xf32, #tpu.memory_space<vmem>> -> memref<16x1024xf32, #tpu.memory_space<vmem>>
    %dma_start3A_127 = arith.constant 16 : i32
    %dma_start3A_128 = tpu.memref_slice %arg5[%dma_start3A_127] : memref<1152xi32, #tpu.memory_space<vmem>> -> memref<16xi32, #tpu.memory_space<vmem>>
    %dma_start3A_129 = arith.constant 0 : i32
    %dma_start3A_130 = arith.constant 0 : i32
    %dma_start3A_131 = tpu.memref_slice %arg3[%dma_start3A_129, %dma_start3A_130] : memref<20608x1024xf32, #tpu.memory_space<hbm>> -> memref<20608x1024xf32, #tpu.memory_space<hbm>>
    tpu.enqueue_indirect_dma source(%dma_start3A_131 : memref<20608x1024xf32, #tpu.memory_space<hbm>>) target(%dma_start3A_126 : memref<16x1024xf32, #tpu.memory_space<vmem>>) offsets(%dma_start3A_128 : memref<16xi32, #tpu.memory_space<vmem>>) semaphore(%arg7 : memref<!tpu.dma_semaphore, #tpu.memory_space<semaphore_mem>>)
    %add3A_132 = arith.constant 32 : i32
    %add3A_133 = arith.addi %mul3A_2, %add3A_132 : i32
    %add3A_134 = arith.constant 0 : i32
    %add3A_135 = arith.addi %add3A_133, %add3A_134 : i32
    %jit3A_136 = arith.constant 2048 : i32
    %div3A_137 = arith.divsi %add3A_135, %jit3A_136 : i32
    %sign3A_138 = arith.constant 0 : i32
    %sign3A_139 = arith.cmpi sgt, %add3A_135, %sign3A_138 : i32
    %sign3A_140 = arith.extui %sign3A_139 : i1 to i32
    %sign3A_141 = arith.constant 0 : i32
    %sign3A_142 = arith.cmpi slt, %add3A_135, %sign3A_141 : i32
    %sign3A_143 = arith.extui %sign3A_142 : i1 to i32
    %sign3A_144 = arith.subi %sign3A_140, %sign3A_143 : i32
    %sign3A_145 = arith.constant 0 : i32
    %sign3A_146 = arith.cmpi sgt, %jit3A_136, %sign3A_145 : i32
    %sign3A_147 = arith.extui %sign3A_146 : i1 to i32
    %sign3A_148 = arith.constant 0 : i32
    %sign3A_149 = arith.cmpi slt, %jit3A_136, %sign3A_148 : i32
    %sign3A_150 = arith.extui %sign3A_149 : i1 to i32
    %sign3A_151 = arith.subi %sign3A_147, %sign3A_150 : i32
    %ne3A_152 = arith.cmpi ne, %sign3A_144, %sign3A_151 : i32
    %rem3A_153 = arith.remsi %add3A_135, %jit3A_136 : i32
    %ne3A_154 = arith.constant 0 : i32
    %ne3A_155 = arith.cmpi ne, %rem3A_153, %ne3A_154 : i32
    %and3A_156 = arith.andi %ne3A_152, %ne3A_155 : i1
    %sub3A_157 = arith.constant 1 : i32
    %sub3A_158 = arith.subi %div3A_137, %sub3A_157 : i32
    %select_n3A_159 = arith.select %and3A_156, %sub3A_158, %div3A_137 : i32
    %jit3A_160 = arith.constant 9 : i32
    %eq3A_161 = arith.constant 0 : i32
    %eq3A_162 = arith.cmpi eq, %jit3A_160, %eq3A_161 : i32
    %jit3A_163 = arith.constant 1 : i32
    %select_n3A_164 = arith.select %eq3A_162, %jit3A_163, %jit3A_160 : i32
    %rem3A_165 = arith.remsi %select_n3A_159, %select_n3A_164 : i32
    %ne3A_166 = arith.constant 0 : i32
    %ne3A_167 = arith.cmpi ne, %rem3A_165, %ne3A_166 : i32
    %lt3A_168 = arith.constant 0 : i32
    %lt3A_169 = arith.cmpi slt, %rem3A_165, %lt3A_168 : i32
    %lt3A_170 = arith.constant 0 : i32
    %lt3A_171 = arith.cmpi slt, %select_n3A_164, %lt3A_170 : i32
    %ne3A_172 = arith.xori %lt3A_169, %lt3A_171 : i1
    %and3A_173 = arith.andi %ne3A_172, %ne3A_167 : i1
    %add3A_174 = arith.addi %rem3A_165, %select_n3A_164 : i32
    %select_n3A_175 = arith.select %and3A_173, %add3A_174, %rem3A_165 : i32
    %eq3A_176 = arith.constant 0 : i32
    %eq3A_177 = arith.cmpi eq, %select_n3A_175, %eq3A_176 : i32
    %mul3A_178 = arith.constant 2050 : i32
    %mul3A_179 = arith.muli %mul3A_178, %select_n3A_175 : i32
    %add3A_180 = arith.constant 2048 : i32
    %add3A_181 = arith.addi %add3A_180, %mul3A_179 : i32
    %jit3A_182 = arith.constant 0 : i32
    %select_n3A_183 = arith.select %eq3A_177, %jit3A_182, %add3A_181 : i32
    %get3A_184 = arith.constant 32 : index
    %get3A_185 = tpu.vector_load %arg5[%get3A_184] {strides = array<i32>} : memref<1152xi32, #tpu.memory_space<vmem>>, vector<16xi32>,
    %get3A_186 = vector.shape_cast %get3A_185 : vector<16xi32> to vector<16xi32>
    %add3A_187 = vector.broadcast %select_n3A_183 : i32 to vector<16xi32>
    %add3A_188 = arith.addi %get3A_186, %add3A_187 : vector<16xi32>
    %swap3A_189 = arith.constant 32 : index
    %swap3A_190 = tpu.vector_load %arg5[%swap3A_189] {strides = array<i32>} : memref<1152xi32, #tpu.memory_space<vmem>>, vector<16xi32>,
    %swap3A_191 = vector.shape_cast %swap3A_190 : vector<16xi32> to vector<16xi32>
    %swap3A_192 = vector.shape_cast %add3A_188 : vector<16xi32> to vector<16xi32>
    tpu.vector_store %arg5[%swap3A_189], %swap3A_192 {strides = array<i32>} : memref<1152xi32, #tpu.memory_space<vmem>>, vector<16xi32>,
    %dma_start3A_193 = arith.constant 2 : i32
    %dma_start3A_194 = arith.constant 0 : i32
    %dma_start3A_195 = arith.constant 0 : i32
    %dma_start3A_196 = tpu.memref_slice %arg6[%dma_start3A_193, %dma_start3A_194, %dma_start3A_195] : memref<6x16x1024xf32, #tpu.memory_space<vmem>> -> memref<1x16x1024xf32, #tpu.memory_space<vmem>>
    %dma_start3A_197 = tpu.memref_squeeze %dma_start3A_196 : memref<1x16x1024xf32, #tpu.memory_space<vmem>> -> memref<16x1024xf32, #tpu.memory_space<vmem>>
    %dma_start3A_198 = arith.constant 32 : i32
    %dma_start3A_199 = tpu.memref_slice %arg5[%dma_start3A_198] : memref<1152xi32, #tpu.memory_space<vmem>> -> memref<16xi32, #tpu.memory_space<vmem>>
    %dma_start3A_200 = arith.constant 0 : i32
    %dma_start3A_201 = arith.constant 0 : i32
    %dma_start3A_202 = tpu.memref_slice %arg3[%dma_start3A_200, %dma_start3A_201] : memref<20608x1024xf32, #tpu.memory_space<hbm>> -> memref<20608x1024xf32, #tpu.memory_space<hbm>>
    tpu.enqueue_indirect_dma source(%dma_start3A_202 : memref<20608x1024xf32, #tpu.memory_space<hbm>>) target(%dma_start3A_197 : memref<16x1024xf32, #tpu.memory_space<vmem>>) offsets(%dma_start3A_199 : memref<16xi32, #tpu.memory_space<vmem>>) semaphore(%arg7 : memref<!tpu.dma_semaphore, #tpu.memory_space<semaphore_mem>>)
    %add3A_203 = arith.constant 48 : i32
    %add3A_204 = arith.addi %mul3A_2, %add3A_203 : i32
    %add3A_205 = arith.constant 0 : i32
    %add3A_206 = arith.addi %add3A_204, %add3A_205 : i32
    %jit3A_207 = arith.constant 2048 : i32
    %div3A_208 = arith.divsi %add3A_206, %jit3A_207 : i32
    %sign3A_209 = arith.constant 0 : i32
    %sign3A_210 = arith.cmpi sgt, %add3A_206, %sign3A_209 : i32
    %sign3A_211 = arith.extui %sign3A_210 : i1 to i32
    %sign3A_212 = arith.constant 0 : i32
    %sign3A_213 = arith.cmpi slt, %add3A_206, %sign3A_212 : i32
    %sign3A_214 = arith.extui %sign3A_213 : i1 to i32
    %sign3A_215 = arith.subi %sign3A_211, %sign3A_214 : i32
    %sign3A_216 = arith.constant 0 : i32
    %sign3A_217 = arith.cmpi sgt, %jit3A_207, %sign3A_216 : i32
    %sign3A_218 = arith.extui %sign3A_217 : i1 to i32
    %sign3A_219 = arith.constant 0 : i32
    %sign3A_220 = arith.cmpi slt, %jit3A_207, %sign3A_219 : i32
    %sign3A_221 = arith.extui %sign3A_220 : i1 to i32
    %sign3A_222 = arith.subi %sign3A_218, %sign3A_221 : i32
    %ne3A_223 = arith.cmpi ne, %sign3A_215, %sign3A_222 : i32
    %rem3A_224 = arith.remsi %add3A_206, %jit3A_207 : i32
    %ne3A_225 = arith.constant 0 : i32
    %ne3A_226 = arith.cmpi ne, %rem3A_224, %ne3A_225 : i32
    %and3A_227 = arith.andi %ne3A_223, %ne3A_226 : i1
    %sub3A_228 = arith.constant 1 : i32
    %sub3A_229 = arith.subi %div3A_208, %sub3A_228 : i32
    %select_n3A_230 = arith.select %and3A_227, %sub3A_229, %div3A_208 : i32
    %jit3A_231 = arith.constant 9 : i32
    %eq3A_232 = arith.constant 0 : i32
    %eq3A_233 = arith.cmpi eq, %jit3A_231, %eq3A_232 : i32
    %jit3A_234 = arith.constant 1 : i32
    %select_n3A_235 = arith.select %eq3A_233, %jit3A_234, %jit3A_231 : i32
    %rem3A_236 = arith.remsi %select_n3A_230, %select_n3A_235 : i32
    %ne3A_237 = arith.constant 0 : i32
    %ne3A_238 = arith.cmpi ne, %rem3A_236, %ne3A_237 : i32
    %lt3A_239 = arith.constant 0 : i32
    %lt3A_240 = arith.cmpi slt, %rem3A_236, %lt3A_239 : i32
    %lt3A_241 = arith.constant 0 : i32
    %lt3A_242 = arith.cmpi slt, %select_n3A_235, %lt3A_241 : i32
    %ne3A_243 = arith.xori %lt3A_240, %lt3A_242 : i1
    %and3A_244 = arith.andi %ne3A_243, %ne3A_238 : i1
    %add3A_245 = arith.addi %rem3A_236, %select_n3A_235 : i32
    %select_n3A_246 = arith.select %and3A_244, %add3A_245, %rem3A_236 : i32
    %eq3A_247 = arith.constant 0 : i32
    %eq3A_248 = arith.cmpi eq, %select_n3A_246, %eq3A_247 : i32
    %mul3A_249 = arith.constant 2050 : i32
    %mul3A_250 = arith.muli %mul3A_249, %select_n3A_246 : i32
    %add3A_251 = arith.constant 2048 : i32
    %add3A_252 = arith.addi %add3A_251, %mul3A_250 : i32
    %jit3A_253 = arith.constant 0 : i32
    %select_n3A_254 = arith.select %eq3A_248, %jit3A_253, %add3A_252 : i32
    %get3A_255 = arith.constant 48 : index
    %get3A_256 = tpu.vector_load %arg5[%get3A_255] {strides = array<i32>} : memref<1152xi32, #tpu.memory_space<vmem>>, vector<16xi32>,
    %get3A_257 = vector.shape_cast %get3A_256 : vector<16xi32> to vector<16xi32>
    %add3A_258 = vector.broadcast %select_n3A_254 : i32 to vector<16xi32>
    %add3A_259 = arith.addi %get3A_257, %add3A_258 : vector<16xi32>
    %swap3A_260 = arith.constant 48 : index
    %swap3A_261 = tpu.vector_load %arg5[%swap3A_260] {strides = array<i32>} : memref<1152xi32, #tpu.memory_space<vmem>>, vector<16xi32>,
    %swap3A_262 = vector.shape_cast %swap3A_261 : vector<16xi32> to vector<16xi32>
    %swap3A_263 = vector.shape_cast %add3A_259 : vector<16xi32> to vector<16xi32>
    tpu.vector_store %arg5[%swap3A_260], %swap3A_263 {strides = array<i32>} : memref<1152xi32, #tpu.memory_space<vmem>>, vector<16xi32>,
    %dma_start3A_264 = arith.constant 3 : i32
    %dma_start3A_265 = arith.constant 0 : i32
    %dma_start3A_266 = arith.constant 0 : i32
    %dma_start3A_267 = tpu.memref_slice %arg6[%dma_start3A_264, %dma_start3A_265, %dma_start3A_266] : memref<6x16x1024xf32, #tpu.memory_space<vmem>> -> memref<1x16x1024xf32, #tpu.memory_space<vmem>>
    %dma_start3A_268 = tpu.memref_squeeze %dma_start3A_267 : memref<1x16x1024xf32, #tpu.memory_space<vmem>> -> memref<16x1024xf32, #tpu.memory_space<vmem>>
    %dma_start3A_269 = arith.constant 48 : i32
    %dma_start3A_270 = tpu.memref_slice %arg5[%dma_start3A_269] : memref<1152xi32, #tpu.memory_space<vmem>> -> memref<16xi32, #tpu.memory_space<vmem>>
    %dma_start3A_271 = arith.constant 0 : i32
    %dma_start3A_272 = arith.constant 0 : i32
    %dma_start3A_273 = tpu.memref_slice %arg3[%dma_start3A_271, %dma_start3A_272] : memref<20608x1024xf32, #tpu.memory_space<hbm>> -> memref<20608x1024xf32, #tpu.memory_space<hbm>>
    tpu.enqueue_indirect_dma source(%dma_start3A_273 : memref<20608x1024xf32, #tpu.memory_space<hbm>>) target(%dma_start3A_268 : memref<16x1024xf32, #tpu.memory_space<vmem>>) offsets(%dma_start3A_270 : memref<16xi32, #tpu.memory_space<vmem>>) semaphore(%arg7 : memref<!tpu.dma_semaphore, #tpu.memory_space<semaphore_mem>>)
    %scan3A = arith.constant 0 : i32
    %scan3A_274 = arith.constant 0 : i32
    %scan3A_275 = arith.constant 12 : i32
    %scan3A_276 = arith.addi %scan3A_274, %scan3A_275 : i32
    %scan3A_277 = arith.constant 1 : i32
    scf.for %scan3A_368 = %scan3A_274 to %scan3A_276 step %scan3A_277  : i32 {
      %mul3A_369 = arith.constant 6 : i32
      %mul3A_370 = arith.muli %scan3A_368, %mul3A_369 : i32
      %add3A_371 = arith.constant 0 : i32
      %add3A_372 = arith.addi %mul3A_370, %add3A_371 : i32
      %add3A_373 = arith.constant 4 : i32
      %add3A_374 = arith.addi %add3A_372, %add3A_373 : i32
      %lt3A_375 = arith.constant 72 : i32
      %lt3A_376 = arith.cmpi slt, %add3A_374, %lt3A_375 : i32
      %convert_element_type3A = arith.extui %lt3A_376 : i1 to i32
      %cond3A = arith.constant 0 : i32
      %cond3A_377 = arith.cmpi ne, %convert_element_type3A, %cond3A : i32
      scf.if %cond3A_377 {
        %mul3A_595 = arith.constant 16 : i32
        %mul3A_596 = arith.muli %add3A_374, %mul3A_595 : i32
        %add3A_597 = arith.addi %mul3A_2, %mul3A_596 : i32
        %add3A_598 = arith.constant 0 : i32
        %add3A_599 = arith.addi %add3A_597, %add3A_598 : i32
        %jit3A_600 = arith.constant 2048 : i32
        %div3A_601 = arith.divsi %add3A_599, %jit3A_600 : i32
        %sign3A_602 = arith.constant 0 : i32
        %sign3A_603 = arith.cmpi sgt, %add3A_599, %sign3A_602 : i32
        %sign3A_604 = arith.extui %sign3A_603 : i1 to i32
        %sign3A_605 = arith.constant 0 : i32
        %sign3A_606 = arith.cmpi slt, %add3A_599, %sign3A_605 : i32
        %sign3A_607 = arith.extui %sign3A_606 : i1 to i32
        %sign3A_608 = arith.subi %sign3A_604, %sign3A_607 : i32
        %sign3A_609 = arith.constant 0 : i32
        %sign3A_610 = arith.cmpi sgt, %jit3A_600, %sign3A_609 : i32
        %sign3A_611 = arith.extui %sign3A_610 : i1 to i32
        %sign3A_612 = arith.constant 0 : i32
        %sign3A_613 = arith.cmpi slt, %jit3A_600, %sign3A_612 : i32
        %sign3A_614 = arith.extui %sign3A_613 : i1 to i32
        %sign3A_615 = arith.subi %sign3A_611, %sign3A_614 : i32
        %ne3A_616 = arith.cmpi ne, %sign3A_608, %sign3A_615 : i32
        %rem3A_617 = arith.remsi %add3A_599, %jit3A_600 : i32
        %ne3A_618 = arith.constant 0 : i32
        %ne3A_619 = arith.cmpi ne, %rem3A_617, %ne3A_618 : i32
        %and3A_620 = arith.andi %ne3A_616, %ne3A_619 : i1
        %sub3A_621 = arith.constant 1 : i32
        %sub3A_622 = arith.subi %div3A_601, %sub3A_621 : i32
        %select_n3A_623 = arith.select %and3A_620, %sub3A_622, %div3A_601 : i32
        %jit3A_624 = arith.constant 9 : i32
        %eq3A_625 = arith.constant 0 : i32
        %eq3A_626 = arith.cmpi eq, %jit3A_624, %eq3A_625 : i32
        %jit3A_627 = arith.constant 1 : i32
        %select_n3A_628 = arith.select %eq3A_626, %jit3A_627, %jit3A_624 : i32
        %rem3A_629 = arith.remsi %select_n3A_623, %select_n3A_628 : i32
        %ne3A_630 = arith.constant 0 : i32
        %ne3A_631 = arith.cmpi ne, %rem3A_629, %ne3A_630 : i32
        %lt3A_632 = arith.constant 0 : i32
        %lt3A_633 = arith.cmpi slt, %rem3A_629, %lt3A_632 : i32
        %lt3A_634 = arith.constant 0 : i32
        %lt3A_635 = arith.cmpi slt, %select_n3A_628, %lt3A_634 : i32
        %ne3A_636 = arith.xori %lt3A_633, %lt3A_635 : i1
        %and3A_637 = arith.andi %ne3A_636, %ne3A_631 : i1
        %add3A_638 = arith.addi %rem3A_629, %select_n3A_628 : i32
        %select_n3A_639 = arith.select %and3A_637, %add3A_638, %rem3A_629 : i32
        %eq3A_640 = arith.constant 0 : i32
        %eq3A_641 = arith.cmpi eq, %select_n3A_639, %eq3A_640 : i32
        %mul3A_642 = arith.constant 2050 : i32
        %mul3A_643 = arith.muli %mul3A_642, %select_n3A_639 : i32
        %add3A_644 = arith.constant 2048 : i32
        %add3A_645 = arith.addi %add3A_644, %mul3A_643 : i32
        %jit3A_646 = arith.constant 0 : i32
        %select_n3A_647 = arith.select %eq3A_641, %jit3A_646, %add3A_645 : i32
        %mul3A_648 = arith.constant 16 : i32
        %mul3A_649 = arith.muli %add3A_374, %mul3A_648 : i32
        %add3A_650 = arith.constant 0 : i32
        %add3A_651 = arith.addi %mul3A_649, %add3A_650 : i32
        %get3A_652 = arith.index_cast %add3A_651 : i32 to index
        %get3A_653 = tpu.vector_load %arg5[%get3A_652] {strides = array<i32>} : memref<1152xi32, #tpu.memory_space<vmem>>, vector<16xi32>,
        %get3A_654 = vector.shape_cast %get3A_653 : vector<16xi32> to vector<16xi32>
        %add3A_655 = vector.broadcast %select_n3A_647 : i32 to vector<16xi32>
        %add3A_656 = arith.addi %get3A_654, %add3A_655 : vector<16xi32>
        %swap3A_657 = arith.index_cast %add3A_651 : i32 to index
        %swap3A_658 = tpu.vector_load %arg5[%swap3A_657] {strides = array<i32>} : memref<1152xi32, #tpu.memory_space<vmem>>, vector<16xi32>,
        %swap3A_659 = vector.shape_cast %swap3A_658 : vector<16xi32> to vector<16xi32>
        %swap3A_660 = vector.shape_cast %add3A_656 : vector<16xi32> to vector<16xi32>
        tpu.vector_store %arg5[%swap3A_657], %swap3A_660 {strides = array<i32>} : memref<1152xi32, #tpu.memory_space<vmem>>, vector<16xi32>,
        %ge3A = arith.constant 2 : i32
        %ge3A_661 = arith.cmpi sge, %add3A_372, %ge3A : i32
        %convert_element_type3A_662 = arith.extui %ge3A_661 : i1 to i32
        %cond3A_663 = arith.constant 0 : i32
        %cond3A_664 = arith.cmpi ne, %convert_element_type3A_662, %cond3A_663 : i32
        scf.if %cond3A_664 {
          %add3A_676 = arith.constant 0 : i32
          %add3A_677 = arith.addi %mul3A_2, %add3A_676 : i32
          %dma_wait3A_678 = arith.constant 4 : i32
          %dma_wait3A_679 = arith.constant 0 : i32
          %dma_wait3A_680 = arith.constant 0 : i32
          %dma_wait3A_681 = tpu.memref_slice %arg6[%dma_wait3A_678, %dma_wait3A_679, %dma_wait3A_680] : memref<6x16x1024xf32, #tpu.memory_space<vmem>> -> memref<1x16x1024xf32, #tpu.memory_space<vmem>>
          %dma_wait3A_682 = tpu.memref_squeeze %dma_wait3A_681 : memref<1x16x1024xf32, #tpu.memory_space<vmem>> -> memref<16x1024xf32, #tpu.memory_space<vmem>>
          %dma_wait3A_683 = arith.constant 0 : i32
          %dma_wait3A_684 = tpu.memref_slice %arg4[%add3A_677, %dma_wait3A_683] : memref<36864x1024xf32, #tpu.memory_space<hbm>> -> memref<16x1024xf32, #tpu.memory_space<hbm>>
          %dma_wait3A_685 = arith.constant 0 : i32
          %dma_wait3A_686 = tpu.memref_slice %arg4[%add3A_677, %dma_wait3A_685] : memref<36864x1024xf32, #tpu.memory_space<hbm>> -> memref<16x1024xf32, #tpu.memory_space<hbm>>
          %dma_wait3A_687 = arith.constant 0 : i32
          %dma_wait3A_688 = arith.constant 0 : i32
          %dma_wait3A_689 = tpu.memref_slice %arg6[%dma_wait3A_678, %dma_wait3A_687, %dma_wait3A_688] : memref<6x16x1024xf32, #tpu.memory_space<vmem>> -> memref<1x16x1024xf32, #tpu.memory_space<vmem>>
          %dma_wait3A_690 = tpu.memref_squeeze %dma_wait3A_689 : memref<1x16x1024xf32, #tpu.memory_space<vmem>> -> memref<16x1024xf32, #tpu.memory_space<vmem>>
          tpu.wait_dma2 semaphore(%arg8 : memref<!tpu.dma_semaphore, #tpu.memory_space<semaphore_mem>>) src(%dma_wait3A_690 : memref<16x1024xf32, #tpu.memory_space<vmem>>) dst(%dma_wait3A_686 : memref<16x1024xf32, #tpu.memory_space<hbm>>)
        } else {
        }
        %mul3A_665 = arith.constant 16 : i32
        %mul3A_666 = arith.muli %add3A_374, %mul3A_665 : i32
        %dma_start3A_667 = arith.constant 4 : i32
        %dma_start3A_668 = arith.constant 0 : i32
        %dma_start3A_669 = arith.constant 0 : i32
        %dma_start3A_670 = tpu.memref_slice %arg6[%dma_start3A_667, %dma_start3A_668, %dma_start3A_669] : memref<6x16x1024xf32, #tpu.memory_space<vmem>> -> memref<1x16x1024xf32, #tpu.memory_space<vmem>>
        %dma_start3A_671 = tpu.memref_squeeze %dma_start3A_670 : memref<1x16x1024xf32, #tpu.memory_space<vmem>> -> memref<16x1024xf32, #tpu.memory_space<vmem>>
        %dma_start3A_672 = tpu.memref_slice %arg5[%mul3A_666] : memref<1152xi32, #tpu.memory_space<vmem>> -> memref<16xi32, #tpu.memory_space<vmem>>
        %dma_start3A_673 = arith.constant 0 : i32
        %dma_start3A_674 = arith.constant 0 : i32
        %dma_start3A_675 = tpu.memref_slice %arg3[%dma_start3A_673, %dma_start3A_674] : memref<20608x1024xf32, #tpu.memory_space<hbm>> -> memref<20608x1024xf32, #tpu.memory_space<hbm>>
        tpu.enqueue_indirect_dma source(%dma_start3A_675 : memref<20608x1024xf32, #tpu.memory_space<hbm>>) target(%dma_start3A_671 : memref<16x1024xf32, #tpu.memory_space<vmem>>) offsets(%dma_start3A_672 : memref<16xi32, #tpu.memory_space<vmem>>) semaphore(%arg7 : memref<!tpu.dma_semaphore, #tpu.memory_space<semaphore_mem>>)
      } else {
      }
      %mul3A_378 = arith.constant 16 : i32
      %mul3A_379 = arith.muli %add3A_372, %mul3A_378 : i32
      %dma_wait3A_380 = arith.constant 0 : i32
      %dma_wait3A_381 = arith.constant 0 : i32
      %dma_wait3A_382 = arith.constant 0 : i32
      %dma_wait3A_383 = tpu.memref_slice %arg6[%dma_wait3A_380, %dma_wait3A_381, %dma_wait3A_382] : memref<6x16x1024xf32, #tpu.memory_space<vmem>> -> memref<1x16x1024xf32, #tpu.memory_space<vmem>>
      %dma_wait3A_384 = tpu.memref_squeeze %dma_wait3A_383 : memref<1x16x1024xf32, #tpu.memory_space<vmem>> -> memref<16x1024xf32, #tpu.memory_space<vmem>>
      %dma_wait3A_385 = tpu.memref_slice %arg5[%mul3A_379] : memref<1152xi32, #tpu.memory_space<vmem>> -> memref<16xi32, #tpu.memory_space<vmem>>
      %dma_wait3A_386 = arith.constant 0 : i32
      %dma_wait3A_387 = arith.constant 0 : i32
      %dma_wait3A_388 = tpu.memref_slice %arg3[%dma_wait3A_386, %dma_wait3A_387] : memref<20608x1024xf32, #tpu.memory_space<hbm>> -> memref<20608x1024xf32, #tpu.memory_space<hbm>>
      tpu.wait_indirect_dma semaphore(%arg7 : memref<!tpu.dma_semaphore, #tpu.memory_space<semaphore_mem>>) src(%dma_wait3A_388 : memref<20608x1024xf32, #tpu.memory_space<hbm>>) dst(%dma_wait3A_384 : memref<16x1024xf32, #tpu.memory_space<vmem>>)
      %mul3A_389 = arith.constant 16 : i32
      %mul3A_390 = arith.muli %add3A_372, %mul3A_389 : i32
      %add3A_391 = arith.addi %mul3A_2, %mul3A_390 : i32
      %dma_start3A_392 = arith.constant 0 : i32
      %dma_start3A_393 = arith.constant 0 : i32
      %dma_start3A_394 = arith.constant 0 : i32
      %dma_start3A_395 = tpu.memref_slice %arg6[%dma_start3A_392, %dma_start3A_393, %dma_start3A_394] : memref<6x16x1024xf32, #tpu.memory_space<vmem>> -> memref<1x16x1024xf32, #tpu.memory_space<vmem>>
      %dma_start3A_396 = tpu.memref_squeeze %dma_start3A_395 : memref<1x16x1024xf32, #tpu.memory_space<vmem>> -> memref<16x1024xf32, #tpu.memory_space<vmem>>
      %dma_start3A_397 = arith.constant 0 : i32
      %dma_start3A_398 = tpu.memref_slice %arg4[%add3A_391, %dma_start3A_397] : memref<36864x1024xf32, #tpu.memory_space<hbm>> -> memref<16x1024xf32, #tpu.memory_space<hbm>>
      %dma_start3A_399 = arith.constant 0 : i32
      %dma_start3A_400 = tpu.memref_slice %arg4[%add3A_391, %dma_start3A_399] : memref<36864x1024xf32, #tpu.memory_space<hbm>> -> memref<16x1024xf32, #tpu.memory_space<hbm>>
      %dma_start3A_401 = arith.constant 0 : i32
      %dma_start3A_402 = arith.constant 0 : i32
      %dma_start3A_403 = tpu.memref_slice %arg6[%dma_start3A_392, %dma_start3A_401, %dma_start3A_402] : memref<6x16x1024xf32, #tpu.memory_space<vmem>> -> memref<1x16x1024xf32, #tpu.memory_space<vmem>>
      %dma_start3A_404 = tpu.memref_squeeze %dma_start3A_403 : memref<1x16x1024xf32, #tpu.memory_space<vmem>> -> memref<16x1024xf32, #tpu.memory_space<vmem>>
      tpu.enqueue_dma source(%dma_start3A_404 : memref<16x1024xf32, #tpu.memory_space<vmem>>) target(%dma_start3A_400 : memref<16x1024xf32, #tpu.memory_space<hbm>>) target_semaphore(%arg8 : memref<!tpu.dma_semaphore, #tpu.memory_space<semaphore_mem>>)
      %mul3A_405 = arith.constant 6 : i32
      %mul3A_406 = arith.muli %scan3A_368, %mul3A_405 : i32
      %add3A_407 = arith.constant 1 : i32
      %add3A_408 = arith.addi %mul3A_406, %add3A_407 : i32
      %add3A_409 = arith.constant 4 : i32
      %add3A_410 = arith.addi %add3A_408, %add3A_409 : i32
      %lt3A_411 = arith.constant 72 : i32
      %lt3A_412 = arith.cmpi slt, %add3A_410, %lt3A_411 : i32
      %convert_element_type3A_413 = arith.extui %lt3A_412 : i1 to i32
      %cond3A_414 = arith.constant 0 : i32
      %cond3A_415 = arith.cmpi ne, %convert_element_type3A_413, %cond3A_414 : i32
      scf.if %cond3A_415 {
        %mul3A_595 = arith.constant 16 : i32
        %mul3A_596 = arith.muli %add3A_410, %mul3A_595 : i32
        %add3A_597 = arith.addi %mul3A_2, %mul3A_596 : i32
        %add3A_598 = arith.constant 0 : i32
        %add3A_599 = arith.addi %add3A_597, %add3A_598 : i32
        %jit3A_600 = arith.constant 2048 : i32
        %div3A_601 = arith.divsi %add3A_599, %jit3A_600 : i32
        %sign3A_602 = arith.constant 0 : i32
        %sign3A_603 = arith.cmpi sgt, %add3A_599, %sign3A_602 : i32
        %sign3A_604 = arith.extui %sign3A_603 : i1 to i32
        %sign3A_605 = arith.constant 0 : i32
        %sign3A_606 = arith.cmpi slt, %add3A_599, %sign3A_605 : i32
        %sign3A_607 = arith.extui %sign3A_606 : i1 to i32
        %sign3A_608 = arith.subi %sign3A_604, %sign3A_607 : i32
        %sign3A_609 = arith.constant 0 : i32
        %sign3A_610 = arith.cmpi sgt, %jit3A_600, %sign3A_609 : i32
        %sign3A_611 = arith.extui %sign3A_610 : i1 to i32
        %sign3A_612 = arith.constant 0 : i32
        %sign3A_613 = arith.cmpi slt, %jit3A_600, %sign3A_612 : i32
        %sign3A_614 = arith.extui %sign3A_613 : i1 to i32
        %sign3A_615 = arith.subi %sign3A_611, %sign3A_614 : i32
        %ne3A_616 = arith.cmpi ne, %sign3A_608, %sign3A_615 : i32
        %rem3A_617 = arith.remsi %add3A_599, %jit3A_600 : i32
        %ne3A_618 = arith.constant 0 : i32
        %ne3A_619 = arith.cmpi ne, %rem3A_617, %ne3A_618 : i32
        %and3A_620 = arith.andi %ne3A_616, %ne3A_619 : i1
        %sub3A_621 = arith.constant 1 : i32
        %sub3A_622 = arith.subi %div3A_601, %sub3A_621 : i32
        %select_n3A_623 = arith.select %and3A_620, %sub3A_622, %div3A_601 : i32
        %jit3A_624 = arith.constant 9 : i32
        %eq3A_625 = arith.constant 0 : i32
        %eq3A_626 = arith.cmpi eq, %jit3A_624, %eq3A_625 : i32
        %jit3A_627 = arith.constant 1 : i32
        %select_n3A_628 = arith.select %eq3A_626, %jit3A_627, %jit3A_624 : i32
        %rem3A_629 = arith.remsi %select_n3A_623, %select_n3A_628 : i32
        %ne3A_630 = arith.constant 0 : i32
        %ne3A_631 = arith.cmpi ne, %rem3A_629, %ne3A_630 : i32
        %lt3A_632 = arith.constant 0 : i32
        %lt3A_633 = arith.cmpi slt, %rem3A_629, %lt3A_632 : i32
        %lt3A_634 = arith.constant 0 : i32
        %lt3A_635 = arith.cmpi slt, %select_n3A_628, %lt3A_634 : i32
        %ne3A_636 = arith.xori %lt3A_633, %lt3A_635 : i1
        %and3A_637 = arith.andi %ne3A_636, %ne3A_631 : i1
        %add3A_638 = arith.addi %rem3A_629, %select_n3A_628 : i32
        %select_n3A_639 = arith.select %and3A_637, %add3A_638, %rem3A_629 : i32
        %eq3A_640 = arith.constant 0 : i32
        %eq3A_641 = arith.cmpi eq, %select_n3A_639, %eq3A_640 : i32
        %mul3A_642 = arith.constant 2050 : i32
        %mul3A_643 = arith.muli %mul3A_642, %select_n3A_639 : i32
        %add3A_644 = arith.constant 2048 : i32
        %add3A_645 = arith.addi %add3A_644, %mul3A_643 : i32
        %jit3A_646 = arith.constant 0 : i32
        %select_n3A_647 = arith.select %eq3A_641, %jit3A_646, %add3A_645 : i32
        %mul3A_648 = arith.constant 16 : i32
        %mul3A_649 = arith.muli %add3A_410, %mul3A_648 : i32
        %add3A_650 = arith.constant 0 : i32
        %add3A_651 = arith.addi %mul3A_649, %add3A_650 : i32
        %get3A_652 = arith.index_cast %add3A_651 : i32 to index
        %get3A_653 = tpu.vector_load %arg5[%get3A_652] {strides = array<i32>} : memref<1152xi32, #tpu.memory_space<vmem>>, vector<16xi32>,
        %get3A_654 = vector.shape_cast %get3A_653 : vector<16xi32> to vector<16xi32>
        %add3A_655 = vector.broadcast %select_n3A_647 : i32 to vector<16xi32>
        %add3A_656 = arith.addi %get3A_654, %add3A_655 : vector<16xi32>
        %swap3A_657 = arith.index_cast %add3A_651 : i32 to index
        %swap3A_658 = tpu.vector_load %arg5[%swap3A_657] {strides = array<i32>} : memref<1152xi32, #tpu.memory_space<vmem>>, vector<16xi32>,
        %swap3A_659 = vector.shape_cast %swap3A_658 : vector<16xi32> to vector<16xi32>
        %swap3A_660 = vector.shape_cast %add3A_656 : vector<16xi32> to vector<16xi32>
        tpu.vector_store %arg5[%swap3A_657], %swap3A_660 {strides = array<i32>} : memref<1152xi32, #tpu.memory_space<vmem>>, vector<16xi32>,
        %ge3A = arith.constant 2 : i32
        %ge3A_661 = arith.cmpi sge, %add3A_408, %ge3A : i32
        %convert_element_type3A_662 = arith.extui %ge3A_661 : i1 to i32
        %cond3A_663 = arith.constant 0 : i32
        %cond3A_664 = arith.cmpi ne, %convert_element_type3A_662, %cond3A_663 : i32
        scf.if %cond3A_664 {
          %add3A_676 = arith.constant 0 : i32
          %add3A_677 = arith.addi %mul3A_2, %add3A_676 : i32
          %dma_wait3A_678 = arith.constant 5 : i32
          %dma_wait3A_679 = arith.constant 0 : i32
          %dma_wait3A_680 = arith.constant 0 : i32
          %dma_wait3A_681 = tpu.memref_slice %arg6[%dma_wait3A_678, %dma_wait3A_679, %dma_wait3A_680] : memref<6x16x1024xf32, #tpu.memory_space<vmem>> -> memref<1x16x1024xf32, #tpu.memory_space<vmem>>
          %dma_wait3A_682 = tpu.memref_squeeze %dma_wait3A_681 : memref<1x16x1024xf32, #tpu.memory_space<vmem>> -> memref<16x1024xf32, #tpu.memory_space<vmem>>
          %dma_wait3A_683 = arith.constant 0 : i32
          %dma_wait3A_684 = tpu.memref_slice %arg4[%add3A_677, %dma_wait3A_683] : memref<36864x1024xf32, #tpu.memory_space<hbm>> -> memref<16x1024xf32, #tpu.memory_space<hbm>>
          %dma_wait3A_685 = arith.constant 0 : i32
          %dma_wait3A_686 = tpu.memref_slice %arg4[%add3A_677, %dma_wait3A_685] : memref<36864x1024xf32, #tpu.memory_space<hbm>> -> memref<16x1024xf32, #tpu.memory_space<hbm>>
          %dma_wait3A_687 = arith.constant 0 : i32
          %dma_wait3A_688 = arith.constant 0 : i32
          %dma_wait3A_689 = tpu.memref_slice %arg6[%dma_wait3A_678, %dma_wait3A_687, %dma_wait3A_688] : memref<6x16x1024xf32, #tpu.memory_space<vmem>> -> memref<1x16x1024xf32, #tpu.memory_space<vmem>>
          %dma_wait3A_690 = tpu.memref_squeeze %dma_wait3A_689 : memref<1x16x1024xf32, #tpu.memory_space<vmem>> -> memref<16x1024xf32, #tpu.memory_space<vmem>>
          tpu.wait_dma2 semaphore(%arg8 : memref<!tpu.dma_semaphore, #tpu.memory_space<semaphore_mem>>) src(%dma_wait3A_690 : memref<16x1024xf32, #tpu.memory_space<vmem>>) dst(%dma_wait3A_686 : memref<16x1024xf32, #tpu.memory_space<hbm>>)
        } else {
        }
        %mul3A_665 = arith.constant 16 : i32
        %mul3A_666 = arith.muli %add3A_410, %mul3A_665 : i32
        %dma_start3A_667 = arith.constant 5 : i32
        %dma_start3A_668 = arith.constant 0 : i32
        %dma_start3A_669 = arith.constant 0 : i32
        %dma_start3A_670 = tpu.memref_slice %arg6[%dma_start3A_667, %dma_start3A_668, %dma_start3A_669] : memref<6x16x1024xf32, #tpu.memory_space<vmem>> -> memref<1x16x1024xf32, #tpu.memory_space<vmem>>
        %dma_start3A_671 = tpu.memref_squeeze %dma_start3A_670 : memref<1x16x1024xf32, #tpu.memory_space<vmem>> -> memref<16x1024xf32, #tpu.memory_space<vmem>>
        %dma_start3A_672 = tpu.memref_slice %arg5[%mul3A_666] : memref<1152xi32, #tpu.memory_space<vmem>> -> memref<16xi32, #tpu.memory_space<vmem>>
        %dma_start3A_673 = arith.constant 0 : i32
        %dma_start3A_674 = arith.constant 0 : i32
        %dma_start3A_675 = tpu.memref_slice %arg3[%dma_start3A_673, %dma_start3A_674] : memref<20608x1024xf32, #tpu.memory_space<hbm>> -> memref<20608x1024xf32, #tpu.memory_space<hbm>>
        tpu.enqueue_indirect_dma source(%dma_start3A_675 : memref<20608x1024xf32, #tpu.memory_space<hbm>>) target(%dma_start3A_671 : memref<16x1024xf32, #tpu.memory_space<vmem>>) offsets(%dma_start3A_672 : memref<16xi32, #tpu.memory_space<vmem>>) semaphore(%arg7 : memref<!tpu.dma_semaphore, #tpu.memory_space<semaphore_mem>>)
      } else {
      }
      %mul3A_416 = arith.constant 16 : i32
      %mul3A_417 = arith.muli %add3A_408, %mul3A_416 : i32
      %dma_wait3A_418 = arith.constant 1 : i32
      %dma_wait3A_419 = arith.constant 0 : i32
      %dma_wait3A_420 = arith.constant 0 : i32
      %dma_wait3A_421 = tpu.memref_slice %arg6[%dma_wait3A_418, %dma_wait3A_419, %dma_wait3A_420] : memref<6x16x1024xf32, #tpu.memory_space<vmem>> -> memref<1x16x1024xf32, #tpu.memory_space<vmem>>
      %dma_wait3A_422 = tpu.memref_squeeze %dma_wait3A_421 : memref<1x16x1024xf32, #tpu.memory_space<vmem>> -> memref<16x1024xf32, #tpu.memory_space<vmem>>
      %dma_wait3A_423 = tpu.memref_slice %arg5[%mul3A_417] : memref<1152xi32, #tpu.memory_space<vmem>> -> memref<16xi32, #tpu.memory_space<vmem>>
      %dma_wait3A_424 = arith.constant 0 : i32
      %dma_wait3A_425 = arith.constant 0 : i32
      %dma_wait3A_426 = tpu.memref_slice %arg3[%dma_wait3A_424, %dma_wait3A_425] : memref<20608x1024xf32, #tpu.memory_space<hbm>> -> memref<20608x1024xf32, #tpu.memory_space<hbm>>
      tpu.wait_indirect_dma semaphore(%arg7 : memref<!tpu.dma_semaphore, #tpu.memory_space<semaphore_mem>>) src(%dma_wait3A_426 : memref<20608x1024xf32, #tpu.memory_space<hbm>>) dst(%dma_wait3A_422 : memref<16x1024xf32, #tpu.memory_space<vmem>>)
      %mul3A_427 = arith.constant 16 : i32
      %mul3A_428 = arith.muli %add3A_408, %mul3A_427 : i32
      %add3A_429 = arith.addi %mul3A_2, %mul3A_428 : i32
      %dma_start3A_430 = arith.constant 1 : i32
      %dma_start3A_431 = arith.constant 0 : i32
      %dma_start3A_432 = arith.constant 0 : i32
      %dma_start3A_433 = tpu.memref_slice %arg6[%dma_start3A_430, %dma_start3A_431, %dma_start3A_432] : memref<6x16x1024xf32, #tpu.memory_space<vmem>> -> memref<1x16x1024xf32, #tpu.memory_space<vmem>>
      %dma_start3A_434 = tpu.memref_squeeze %dma_start3A_433 : memref<1x16x1024xf32, #tpu.memory_space<vmem>> -> memref<16x1024xf32, #tpu.memory_space<vmem>>
      %dma_start3A_435 = arith.constant 0 : i32
      %dma_start3A_436 = tpu.memref_slice %arg4[%add3A_429, %dma_start3A_435] : memref<36864x1024xf32, #tpu.memory_space<hbm>> -> memref<16x1024xf32, #tpu.memory_space<hbm>>
      %dma_start3A_437 = arith.constant 0 : i32
      %dma_start3A_438 = tpu.memref_slice %arg4[%add3A_429, %dma_start3A_437] : memref<36864x1024xf32, #tpu.memory_space<hbm>> -> memref<16x1024xf32, #tpu.memory_space<hbm>>
      %dma_start3A_439 = arith.constant 0 : i32
      %dma_start3A_440 = arith.constant 0 : i32
      %dma_start3A_441 = tpu.memref_slice %arg6[%dma_start3A_430, %dma_start3A_439, %dma_start3A_440] : memref<6x16x1024xf32, #tpu.memory_space<vmem>> -> memref<1x16x1024xf32, #tpu.memory_space<vmem>>
      %dma_start3A_442 = tpu.memref_squeeze %dma_start3A_441 : memref<1x16x1024xf32, #tpu.memory_space<vmem>> -> memref<16x1024xf32, #tpu.memory_space<vmem>>
      tpu.enqueue_dma source(%dma_start3A_442 : memref<16x1024xf32, #tpu.memory_space<vmem>>) target(%dma_start3A_438 : memref<16x1024xf32, #tpu.memory_space<hbm>>) target_semaphore(%arg8 : memref<!tpu.dma_semaphore, #tpu.memory_space<semaphore_mem>>)
      %mul3A_443 = arith.constant 6 : i32
      %mul3A_444 = arith.muli %scan3A_368, %mul3A_443 : i32
      %add3A_445 = arith.constant 2 : i32
      %add3A_446 = arith.addi %mul3A_444, %add3A_445 : i32
      %add3A_447 = arith.constant 4 : i32
      %add3A_448 = arith.addi %add3A_446, %add3A_447 : i32
      %lt3A_449 = arith.constant 72 : i32
      %lt3A_450 = arith.cmpi slt, %add3A_448, %lt3A_449 : i32
      %convert_element_type3A_451 = arith.extui %lt3A_450 : i1 to i32
      %cond3A_452 = arith.constant 0 : i32
      %cond3A_453 = arith.cmpi ne, %convert_element_type3A_451, %cond3A_452 : i32
      scf.if %cond3A_453 {
        %mul3A_595 = arith.constant 16 : i32
        %mul3A_596 = arith.muli %add3A_448, %mul3A_595 : i32
        %add3A_597 = arith.addi %mul3A_2, %mul3A_596 : i32
        %add3A_598 = arith.constant 0 : i32
        %add3A_599 = arith.addi %add3A_597, %add3A_598 : i32
        %jit3A_600 = arith.constant 2048 : i32
        %div3A_601 = arith.divsi %add3A_599, %jit3A_600 : i32
        %sign3A_602 = arith.constant 0 : i32
        %sign3A_603 = arith.cmpi sgt, %add3A_599, %sign3A_602 : i32
        %sign3A_604 = arith.extui %sign3A_603 : i1 to i32
        %sign3A_605 = arith.constant 0 : i32
        %sign3A_606 = arith.cmpi slt, %add3A_599, %sign3A_605 : i32
        %sign3A_607 = arith.extui %sign3A_606 : i1 to i32
        %sign3A_608 = arith.subi %sign3A_604, %sign3A_607 : i32
        %sign3A_609 = arith.constant 0 : i32
        %sign3A_610 = arith.cmpi sgt, %jit3A_600, %sign3A_609 : i32
        %sign3A_611 = arith.extui %sign3A_610 : i1 to i32
        %sign3A_612 = arith.constant 0 : i32
        %sign3A_613 = arith.cmpi slt, %jit3A_600, %sign3A_612 : i32
        %sign3A_614 = arith.extui %sign3A_613 : i1 to i32
        %sign3A_615 = arith.subi %sign3A_611, %sign3A_614 : i32
        %ne3A_616 = arith.cmpi ne, %sign3A_608, %sign3A_615 : i32
        %rem3A_617 = arith.remsi %add3A_599, %jit3A_600 : i32
        %ne3A_618 = arith.constant 0 : i32
        %ne3A_619 = arith.cmpi ne, %rem3A_617, %ne3A_618 : i32
        %and3A_620 = arith.andi %ne3A_616, %ne3A_619 : i1
        %sub3A_621 = arith.constant 1 : i32
        %sub3A_622 = arith.subi %div3A_601, %sub3A_621 : i32
        %select_n3A_623 = arith.select %and3A_620, %sub3A_622, %div3A_601 : i32
        %jit3A_624 = arith.constant 9 : i32
        %eq3A_625 = arith.constant 0 : i32
        %eq3A_626 = arith.cmpi eq, %jit3A_624, %eq3A_625 : i32
        %jit3A_627 = arith.constant 1 : i32
        %select_n3A_628 = arith.select %eq3A_626, %jit3A_627, %jit3A_624 : i32
        %rem3A_629 = arith.remsi %select_n3A_623, %select_n3A_628 : i32
        %ne3A_630 = arith.constant 0 : i32
        %ne3A_631 = arith.cmpi ne, %rem3A_629, %ne3A_630 : i32
        %lt3A_632 = arith.constant 0 : i32
        %lt3A_633 = arith.cmpi slt, %rem3A_629, %lt3A_632 : i32
        %lt3A_634 = arith.constant 0 : i32
        %lt3A_635 = arith.cmpi slt, %select_n3A_628, %lt3A_634 : i32
        %ne3A_636 = arith.xori %lt3A_633, %lt3A_635 : i1
        %and3A_637 = arith.andi %ne3A_636, %ne3A_631 : i1
        %add3A_638 = arith.addi %rem3A_629, %select_n3A_628 : i32
        %select_n3A_639 = arith.select %and3A_637, %add3A_638, %rem3A_629 : i32
        %eq3A_640 = arith.constant 0 : i32
        %eq3A_641 = arith.cmpi eq, %select_n3A_639, %eq3A_640 : i32
        %mul3A_642 = arith.constant 2050 : i32
        %mul3A_643 = arith.muli %mul3A_642, %select_n3A_639 : i32
        %add3A_644 = arith.constant 2048 : i32
        %add3A_645 = arith.addi %add3A_644, %mul3A_643 : i32
        %jit3A_646 = arith.constant 0 : i32
        %select_n3A_647 = arith.select %eq3A_641, %jit3A_646, %add3A_645 : i32
        %mul3A_648 = arith.constant 16 : i32
        %mul3A_649 = arith.muli %add3A_448, %mul3A_648 : i32
        %add3A_650 = arith.constant 0 : i32
        %add3A_651 = arith.addi %mul3A_649, %add3A_650 : i32
        %get3A_652 = arith.index_cast %add3A_651 : i32 to index
        %get3A_653 = tpu.vector_load %arg5[%get3A_652] {strides = array<i32>} : memref<1152xi32, #tpu.memory_space<vmem>>, vector<16xi32>,
        %get3A_654 = vector.shape_cast %get3A_653 : vector<16xi32> to vector<16xi32>
        %add3A_655 = vector.broadcast %select_n3A_647 : i32 to vector<16xi32>
        %add3A_656 = arith.addi %get3A_654, %add3A_655 : vector<16xi32>
        %swap3A_657 = arith.index_cast %add3A_651 : i32 to index
        %swap3A_658 = tpu.vector_load %arg5[%swap3A_657] {strides = array<i32>} : memref<1152xi32, #tpu.memory_space<vmem>>, vector<16xi32>,
        %swap3A_659 = vector.shape_cast %swap3A_658 : vector<16xi32> to vector<16xi32>
        %swap3A_660 = vector.shape_cast %add3A_656 : vector<16xi32> to vector<16xi32>
        tpu.vector_store %arg5[%swap3A_657], %swap3A_660 {strides = array<i32>} : memref<1152xi32, #tpu.memory_space<vmem>>, vector<16xi32>,
        %ge3A = arith.constant 2 : i32
        %ge3A_661 = arith.cmpi sge, %add3A_446, %ge3A : i32
        %convert_element_type3A_662 = arith.extui %ge3A_661 : i1 to i32
        %cond3A_663 = arith.constant 0 : i32
        %cond3A_664 = arith.cmpi ne, %convert_element_type3A_662, %cond3A_663 : i32
        scf.if %cond3A_664 {
          %add3A_676 = arith.constant 0 : i32
          %add3A_677 = arith.addi %mul3A_2, %add3A_676 : i32
          %dma_wait3A_678 = arith.constant 0 : i32
          %dma_wait3A_679 = arith.constant 0 : i32
          %dma_wait3A_680 = arith.constant 0 : i32
          %dma_wait3A_681 = tpu.memref_slice %arg6[%dma_wait3A_678, %dma_wait3A_679, %dma_wait3A_680] : memref<6x16x1024xf32, #tpu.memory_space<vmem>> -> memref<1x16x1024xf32, #tpu.memory_space<vmem>>
          %dma_wait3A_682 = tpu.memref_squeeze %dma_wait3A_681 : memref<1x16x1024xf32, #tpu.memory_space<vmem>> -> memref<16x1024xf32, #tpu.memory_space<vmem>>
          %dma_wait3A_683 = arith.constant 0 : i32
          %dma_wait3A_684 = tpu.memref_slice %arg4[%add3A_677, %dma_wait3A_683] : memref<36864x1024xf32, #tpu.memory_space<hbm>> -> memref<16x1024xf32, #tpu.memory_space<hbm>>
          %dma_wait3A_685 = arith.constant 0 : i32
          %dma_wait3A_686 = tpu.memref_slice %arg4[%add3A_677, %dma_wait3A_685] : memref<36864x1024xf32, #tpu.memory_space<hbm>> -> memref<16x1024xf32, #tpu.memory_space<hbm>>
          %dma_wait3A_687 = arith.constant 0 : i32
          %dma_wait3A_688 = arith.constant 0 : i32
          %dma_wait3A_689 = tpu.memref_slice %arg6[%dma_wait3A_678, %dma_wait3A_687, %dma_wait3A_688] : memref<6x16x1024xf32, #tpu.memory_space<vmem>> -> memref<1x16x1024xf32, #tpu.memory_space<vmem>>
          %dma_wait3A_690 = tpu.memref_squeeze %dma_wait3A_689 : memref<1x16x1024xf32, #tpu.memory_space<vmem>> -> memref<16x1024xf32, #tpu.memory_space<vmem>>
          tpu.wait_dma2 semaphore(%arg8 : memref<!tpu.dma_semaphore, #tpu.memory_space<semaphore_mem>>) src(%dma_wait3A_690 : memref<16x1024xf32, #tpu.memory_space<vmem>>) dst(%dma_wait3A_686 : memref<16x1024xf32, #tpu.memory_space<hbm>>)
        } else {
        }
        %mul3A_665 = arith.constant 16 : i32
        %mul3A_666 = arith.muli %add3A_448, %mul3A_665 : i32
        %dma_start3A_667 = arith.constant 0 : i32
        %dma_start3A_668 = arith.constant 0 : i32
        %dma_start3A_669 = arith.constant 0 : i32
        %dma_start3A_670 = tpu.memref_slice %arg6[%dma_start3A_667, %dma_start3A_668, %dma_start3A_669] : memref<6x16x1024xf32, #tpu.memory_space<vmem>> -> memref<1x16x1024xf32, #tpu.memory_space<vmem>>
        %dma_start3A_671 = tpu.memref_squeeze %dma_start3A_670 : memref<1x16x1024xf32, #tpu.memory_space<vmem>> -> memref<16x1024xf32, #tpu.memory_space<vmem>>
        %dma_start3A_672 = tpu.memref_slice %arg5[%mul3A_666] : memref<1152xi32, #tpu.memory_space<vmem>> -> memref<16xi32, #tpu.memory_space<vmem>>
        %dma_start3A_673 = arith.constant 0 : i32
        %dma_start3A_674 = arith.constant 0 : i32
        %dma_start3A_675 = tpu.memref_slice %arg3[%dma_start3A_673, %dma_start3A_674] : memref<20608x1024xf32, #tpu.memory_space<hbm>> -> memref<20608x1024xf32, #tpu.memory_space<hbm>>
        tpu.enqueue_indirect_dma source(%dma_start3A_675 : memref<20608x1024xf32, #tpu.memory_space<hbm>>) target(%dma_start3A_671 : memref<16x1024xf32, #tpu.memory_space<vmem>>) offsets(%dma_start3A_672 : memref<16xi32, #tpu.memory_space<vmem>>) semaphore(%arg7 : memref<!tpu.dma_semaphore, #tpu.memory_space<semaphore_mem>>)
      } else {
      }
      %mul3A_454 = arith.constant 16 : i32
      %mul3A_455 = arith.muli %add3A_446, %mul3A_454 : i32
      %dma_wait3A_456 = arith.constant 2 : i32
      %dma_wait3A_457 = arith.constant 0 : i32
      %dma_wait3A_458 = arith.constant 0 : i32
      %dma_wait3A_459 = tpu.memref_slice %arg6[%dma_wait3A_456, %dma_wait3A_457, %dma_wait3A_458] : memref<6x16x1024xf32, #tpu.memory_space<vmem>> -> memref<1x16x1024xf32, #tpu.memory_space<vmem>>
      %dma_wait3A_460 = tpu.memref_squeeze %dma_wait3A_459 : memref<1x16x1024xf32, #tpu.memory_space<vmem>> -> memref<16x1024xf32, #tpu.memory_space<vmem>>
      %dma_wait3A_461 = tpu.memref_slice %arg5[%mul3A_455] : memref<1152xi32, #tpu.memory_space<vmem>> -> memref<16xi32, #tpu.memory_space<vmem>>
      %dma_wait3A_462 = arith.constant 0 : i32
      %dma_wait3A_463 = arith.constant 0 : i32
      %dma_wait3A_464 = tpu.memref_slice %arg3[%dma_wait3A_462, %dma_wait3A_463] : memref<20608x1024xf32, #tpu.memory_space<hbm>> -> memref<20608x1024xf32, #tpu.memory_space<hbm>>
      tpu.wait_indirect_dma semaphore(%arg7 : memref<!tpu.dma_semaphore, #tpu.memory_space<semaphore_mem>>) src(%dma_wait3A_464 : memref<20608x1024xf32, #tpu.memory_space<hbm>>) dst(%dma_wait3A_460 : memref<16x1024xf32, #tpu.memory_space<vmem>>)
      %mul3A_465 = arith.constant 16 : i32
      %mul3A_466 = arith.muli %add3A_446, %mul3A_465 : i32
      %add3A_467 = arith.addi %mul3A_2, %mul3A_466 : i32
      %dma_start3A_468 = arith.constant 2 : i32
      %dma_start3A_469 = arith.constant 0 : i32
      %dma_start3A_470 = arith.constant 0 : i32
      %dma_start3A_471 = tpu.memref_slice %arg6[%dma_start3A_468, %dma_start3A_469, %dma_start3A_470] : memref<6x16x1024xf32, #tpu.memory_space<vmem>> -> memref<1x16x1024xf32, #tpu.memory_space<vmem>>
      %dma_start3A_472 = tpu.memref_squeeze %dma_start3A_471 : memref<1x16x1024xf32, #tpu.memory_space<vmem>> -> memref<16x1024xf32, #tpu.memory_space<vmem>>
      %dma_start3A_473 = arith.constant 0 : i32
      %dma_start3A_474 = tpu.memref_slice %arg4[%add3A_467, %dma_start3A_473] : memref<36864x1024xf32, #tpu.memory_space<hbm>> -> memref<16x1024xf32, #tpu.memory_space<hbm>>
      %dma_start3A_475 = arith.constant 0 : i32
      %dma_start3A_476 = tpu.memref_slice %arg4[%add3A_467, %dma_start3A_475] : memref<36864x1024xf32, #tpu.memory_space<hbm>> -> memref<16x1024xf32, #tpu.memory_space<hbm>>
      %dma_start3A_477 = arith.constant 0 : i32
      %dma_start3A_478 = arith.constant 0 : i32
      %dma_start3A_479 = tpu.memref_slice %arg6[%dma_start3A_468, %dma_start3A_477, %dma_start3A_478] : memref<6x16x1024xf32, #tpu.memory_space<vmem>> -> memref<1x16x1024xf32, #tpu.memory_space<vmem>>
      %dma_start3A_480 = tpu.memref_squeeze %dma_start3A_479 : memref<1x16x1024xf32, #tpu.memory_space<vmem>> -> memref<16x1024xf32, #tpu.memory_space<vmem>>
      tpu.enqueue_dma source(%dma_start3A_480 : memref<16x1024xf32, #tpu.memory_space<vmem>>) target(%dma_start3A_476 : memref<16x1024xf32, #tpu.memory_space<hbm>>) target_semaphore(%arg8 : memref<!tpu.dma_semaphore, #tpu.memory_space<semaphore_mem>>)
      %mul3A_481 = arith.constant 6 : i32
      %mul3A_482 = arith.muli %scan3A_368, %mul3A_481 : i32
      %add3A_483 = arith.constant 3 : i32
      %add3A_484 = arith.addi %mul3A_482, %add3A_483 : i32
      %add3A_485 = arith.constant 4 : i32
      %add3A_486 = arith.addi %add3A_484, %add3A_485 : i32
      %lt3A_487 = arith.constant 72 : i32
      %lt3A_488 = arith.cmpi slt, %add3A_486, %lt3A_487 : i32
      %convert_element_type3A_489 = arith.extui %lt3A_488 : i1 to i32
      %cond3A_490 = arith.constant 0 : i32
      %cond3A_491 = arith.cmpi ne, %convert_element_type3A_489, %cond3A_490 : i32
      scf.if %cond3A_491 {
        %mul3A_595 = arith.constant 16 : i32
        %mul3A_596 = arith.muli %add3A_486, %mul3A_595 : i32
        %add3A_597 = arith.addi %mul3A_2, %mul3A_596 : i32
        %add3A_598 = arith.constant 0 : i32
        %add3A_599 = arith.addi %add3A_597, %add3A_598 : i32
        %jit3A_600 = arith.constant 2048 : i32
        %div3A_601 = arith.divsi %add3A_599, %jit3A_600 : i32
        %sign3A_602 = arith.constant 0 : i32
        %sign3A_603 = arith.cmpi sgt, %add3A_599, %sign3A_602 : i32
        %sign3A_604 = arith.extui %sign3A_603 : i1 to i32
        %sign3A_605 = arith.constant 0 : i32
        %sign3A_606 = arith.cmpi slt, %add3A_599, %sign3A_605 : i32
        %sign3A_607 = arith.extui %sign3A_606 : i1 to i32
        %sign3A_608 = arith.subi %sign3A_604, %sign3A_607 : i32
        %sign3A_609 = arith.constant 0 : i32
        %sign3A_610 = arith.cmpi sgt, %jit3A_600, %sign3A_609 : i32
        %sign3A_611 = arith.extui %sign3A_610 : i1 to i32
        %sign3A_612 = arith.constant 0 : i32
        %sign3A_613 = arith.cmpi slt, %jit3A_600, %sign3A_612 : i32
        %sign3A_614 = arith.extui %sign3A_613 : i1 to i32
        %sign3A_615 = arith.subi %sign3A_611, %sign3A_614 : i32
        %ne3A_616 = arith.cmpi ne, %sign3A_608, %sign3A_615 : i32
        %rem3A_617 = arith.remsi %add3A_599, %jit3A_600 : i32
        %ne3A_618 = arith.constant 0 : i32
        %ne3A_619 = arith.cmpi ne, %rem3A_617, %ne3A_618 : i32
        %and3A_620 = arith.andi %ne3A_616, %ne3A_619 : i1
        %sub3A_621 = arith.constant 1 : i32
        %sub3A_622 = arith.subi %div3A_601, %sub3A_621 : i32
        %select_n3A_623 = arith.select %and3A_620, %sub3A_622, %div3A_601 : i32
        %jit3A_624 = arith.constant 9 : i32
        %eq3A_625 = arith.constant 0 : i32
        %eq3A_626 = arith.cmpi eq, %jit3A_624, %eq3A_625 : i32
        %jit3A_627 = arith.constant 1 : i32
        %select_n3A_628 = arith.select %eq3A_626, %jit3A_627, %jit3A_624 : i32
        %rem3A_629 = arith.remsi %select_n3A_623, %select_n3A_628 : i32
        %ne3A_630 = arith.constant 0 : i32
        %ne3A_631 = arith.cmpi ne, %rem3A_629, %ne3A_630 : i32
        %lt3A_632 = arith.constant 0 : i32
        %lt3A_633 = arith.cmpi slt, %rem3A_629, %lt3A_632 : i32
        %lt3A_634 = arith.constant 0 : i32
        %lt3A_635 = arith.cmpi slt, %select_n3A_628, %lt3A_634 : i32
        %ne3A_636 = arith.xori %lt3A_633, %lt3A_635 : i1
        %and3A_637 = arith.andi %ne3A_636, %ne3A_631 : i1
        %add3A_638 = arith.addi %rem3A_629, %select_n3A_628 : i32
        %select_n3A_639 = arith.select %and3A_637, %add3A_638, %rem3A_629 : i32
        %eq3A_640 = arith.constant 0 : i32
        %eq3A_641 = arith.cmpi eq, %select_n3A_639, %eq3A_640 : i32
        %mul3A_642 = arith.constant 2050 : i32
        %mul3A_643 = arith.muli %mul3A_642, %select_n3A_639 : i32
        %add3A_644 = arith.constant 2048 : i32
        %add3A_645 = arith.addi %add3A_644, %mul3A_643 : i32
        %jit3A_646 = arith.constant 0 : i32
        %select_n3A_647 = arith.select %eq3A_641, %jit3A_646, %add3A_645 : i32
        %mul3A_648 = arith.constant 16 : i32
        %mul3A_649 = arith.muli %add3A_486, %mul3A_648 : i32
        %add3A_650 = arith.constant 0 : i32
        %add3A_651 = arith.addi %mul3A_649, %add3A_650 : i32
        %get3A_652 = arith.index_cast %add3A_651 : i32 to index
        %get3A_653 = tpu.vector_load %arg5[%get3A_652] {strides = array<i32>} : memref<1152xi32, #tpu.memory_space<vmem>>, vector<16xi32>,
        %get3A_654 = vector.shape_cast %get3A_653 : vector<16xi32> to vector<16xi32>
        %add3A_655 = vector.broadcast %select_n3A_647 : i32 to vector<16xi32>
        %add3A_656 = arith.addi %get3A_654, %add3A_655 : vector<16xi32>
        %swap3A_657 = arith.index_cast %add3A_651 : i32 to index
        %swap3A_658 = tpu.vector_load %arg5[%swap3A_657] {strides = array<i32>} : memref<1152xi32, #tpu.memory_space<vmem>>, vector<16xi32>,
        %swap3A_659 = vector.shape_cast %swap3A_658 : vector<16xi32> to vector<16xi32>
        %swap3A_660 = vector.shape_cast %add3A_656 : vector<16xi32> to vector<16xi32>
        tpu.vector_store %arg5[%swap3A_657], %swap3A_660 {strides = array<i32>} : memref<1152xi32, #tpu.memory_space<vmem>>, vector<16xi32>,
        %ge3A = arith.constant 2 : i32
        %ge3A_661 = arith.cmpi sge, %add3A_484, %ge3A : i32
        %convert_element_type3A_662 = arith.extui %ge3A_661 : i1 to i32
        %cond3A_663 = arith.constant 0 : i32
        %cond3A_664 = arith.cmpi ne, %convert_element_type3A_662, %cond3A_663 : i32
        scf.if %cond3A_664 {
          %add3A_676 = arith.constant 0 : i32
          %add3A_677 = arith.addi %mul3A_2, %add3A_676 : i32
          %dma_wait3A_678 = arith.constant 1 : i32
          %dma_wait3A_679 = arith.constant 0 : i32
          %dma_wait3A_680 = arith.constant 0 : i32
          %dma_wait3A_681 = tpu.memref_slice %arg6[%dma_wait3A_678, %dma_wait3A_679, %dma_wait3A_680] : memref<6x16x1024xf32, #tpu.memory_space<vmem>> -> memref<1x16x1024xf32, #tpu.memory_space<vmem>>
          %dma_wait3A_682 = tpu.memref_squeeze %dma_wait3A_681 : memref<1x16x1024xf32, #tpu.memory_space<vmem>> -> memref<16x1024xf32, #tpu.memory_space<vmem>>
          %dma_wait3A_683 = arith.constant 0 : i32
          %dma_wait3A_684 = tpu.memref_slice %arg4[%add3A_677, %dma_wait3A_683] : memref<36864x1024xf32, #tpu.memory_space<hbm>> -> memref<16x1024xf32, #tpu.memory_space<hbm>>
          %dma_wait3A_685 = arith.constant 0 : i32
          %dma_wait3A_686 = tpu.memref_slice %arg4[%add3A_677, %dma_wait3A_685] : memref<36864x1024xf32, #tpu.memory_space<hbm>> -> memref<16x1024xf32, #tpu.memory_space<hbm>>
          %dma_wait3A_687 = arith.constant 0 : i32
          %dma_wait3A_688 = arith.constant 0 : i32
          %dma_wait3A_689 = tpu.memref_slice %arg6[%dma_wait3A_678, %dma_wait3A_687, %dma_wait3A_688] : memref<6x16x1024xf32, #tpu.memory_space<vmem>> -> memref<1x16x1024xf32, #tpu.memory_space<vmem>>
          %dma_wait3A_690 = tpu.memref_squeeze %dma_wait3A_689 : memref<1x16x1024xf32, #tpu.memory_space<vmem>> -> memref<16x1024xf32, #tpu.memory_space<vmem>>
          tpu.wait_dma2 semaphore(%arg8 : memref<!tpu.dma_semaphore, #tpu.memory_space<semaphore_mem>>) src(%dma_wait3A_690 : memref<16x1024xf32, #tpu.memory_space<vmem>>) dst(%dma_wait3A_686 : memref<16x1024xf32, #tpu.memory_space<hbm>>)
        } else {
        }
        %mul3A_665 = arith.constant 16 : i32
        %mul3A_666 = arith.muli %add3A_486, %mul3A_665 : i32
        %dma_start3A_667 = arith.constant 1 : i32
        %dma_start3A_668 = arith.constant 0 : i32
        %dma_start3A_669 = arith.constant 0 : i32
        %dma_start3A_670 = tpu.memref_slice %arg6[%dma_start3A_667, %dma_start3A_668, %dma_start3A_669] : memref<6x16x1024xf32, #tpu.memory_space<vmem>> -> memref<1x16x1024xf32, #tpu.memory_space<vmem>>
        %dma_start3A_671 = tpu.memref_squeeze %dma_start3A_670 : memref<1x16x1024xf32, #tpu.memory_space<vmem>> -> memref<16x1024xf32, #tpu.memory_space<vmem>>
        %dma_start3A_672 = tpu.memref_slice %arg5[%mul3A_666] : memref<1152xi32, #tpu.memory_space<vmem>> -> memref<16xi32, #tpu.memory_space<vmem>>
        %dma_start3A_673 = arith.constant 0 : i32
        %dma_start3A_674 = arith.constant 0 : i32
        %dma_start3A_675 = tpu.memref_slice %arg3[%dma_start3A_673, %dma_start3A_674] : memref<20608x1024xf32, #tpu.memory_space<hbm>> -> memref<20608x1024xf32, #tpu.memory_space<hbm>>
        tpu.enqueue_indirect_dma source(%dma_start3A_675 : memref<20608x1024xf32, #tpu.memory_space<hbm>>) target(%dma_start3A_671 : memref<16x1024xf32, #tpu.memory_space<vmem>>) offsets(%dma_start3A_672 : memref<16xi32, #tpu.memory_space<vmem>>) semaphore(%arg7 : memref<!tpu.dma_semaphore, #tpu.memory_space<semaphore_mem>>)
      } else {
      }
      %mul3A_492 = arith.constant 16 : i32
      %mul3A_493 = arith.muli %add3A_484, %mul3A_492 : i32
      %dma_wait3A_494 = arith.constant 3 : i32
      %dma_wait3A_495 = arith.constant 0 : i32
      %dma_wait3A_496 = arith.constant 0 : i32
      %dma_wait3A_497 = tpu.memref_slice %arg6[%dma_wait3A_494, %dma_wait3A_495, %dma_wait3A_496] : memref<6x16x1024xf32, #tpu.memory_space<vmem>> -> memref<1x16x1024xf32, #tpu.memory_space<vmem>>
      %dma_wait3A_498 = tpu.memref_squeeze %dma_wait3A_497 : memref<1x16x1024xf32, #tpu.memory_space<vmem>> -> memref<16x1024xf32, #tpu.memory_space<vmem>>
      %dma_wait3A_499 = tpu.memref_slice %arg5[%mul3A_493] : memref<1152xi32, #tpu.memory_space<vmem>> -> memref<16xi32, #tpu.memory_space<vmem>>
      %dma_wait3A_500 = arith.constant 0 : i32
      %dma_wait3A_501 = arith.constant 0 : i32
      %dma_wait3A_502 = tpu.memref_slice %arg3[%dma_wait3A_500, %dma_wait3A_501] : memref<20608x1024xf32, #tpu.memory_space<hbm>> -> memref<20608x1024xf32, #tpu.memory_space<hbm>>
      tpu.wait_indirect_dma semaphore(%arg7 : memref<!tpu.dma_semaphore, #tpu.memory_space<semaphore_mem>>) src(%dma_wait3A_502 : memref<20608x1024xf32, #tpu.memory_space<hbm>>) dst(%dma_wait3A_498 : memref<16x1024xf32, #tpu.memory_space<vmem>>)
      %mul3A_503 = arith.constant 16 : i32
      %mul3A_504 = arith.muli %add3A_484, %mul3A_503 : i32
      %add3A_505 = arith.addi %mul3A_2, %mul3A_504 : i32
      %dma_start3A_506 = arith.constant 3 : i32
      %dma_start3A_507 = arith.constant 0 : i32
      %dma_start3A_508 = arith.constant 0 : i32
      %dma_start3A_509 = tpu.memref_slice %arg6[%dma_start3A_506, %dma_start3A_507, %dma_start3A_508] : memref<6x16x1024xf32, #tpu.memory_space<vmem>> -> memref<1x16x1024xf32, #tpu.memory_space<vmem>>
      %dma_start3A_510 = tpu.memref_squeeze %dma_start3A_509 : memref<1x16x1024xf32, #tpu.memory_space<vmem>> -> memref<16x1024xf32, #tpu.memory_space<vmem>>
      %dma_start3A_511 = arith.constant 0 : i32
      %dma_start3A_512 = tpu.memref_slice %arg4[%add3A_505, %dma_start3A_511] : memref<36864x1024xf32, #tpu.memory_space<hbm>> -> memref<16x1024xf32, #tpu.memory_space<hbm>>
      %dma_start3A_513 = arith.constant 0 : i32
      %dma_start3A_514 = tpu.memref_slice %arg4[%add3A_505, %dma_start3A_513] : memref<36864x1024xf32, #tpu.memory_space<hbm>> -> memref<16x1024xf32, #tpu.memory_space<hbm>>
      %dma_start3A_515 = arith.constant 0 : i32
      %dma_start3A_516 = arith.constant 0 : i32
      %dma_start3A_517 = tpu.memref_slice %arg6[%dma_start3A_506, %dma_start3A_515, %dma_start3A_516] : memref<6x16x1024xf32, #tpu.memory_space<vmem>> -> memref<1x16x1024xf32, #tpu.memory_space<vmem>>
      %dma_start3A_518 = tpu.memref_squeeze %dma_start3A_517 : memref<1x16x1024xf32, #tpu.memory_space<vmem>> -> memref<16x1024xf32, #tpu.memory_space<vmem>>
      tpu.enqueue_dma source(%dma_start3A_518 : memref<16x1024xf32, #tpu.memory_space<vmem>>) target(%dma_start3A_514 : memref<16x1024xf32, #tpu.memory_space<hbm>>) target_semaphore(%arg8 : memref<!tpu.dma_semaphore, #tpu.memory_space<semaphore_mem>>)
      %mul3A_519 = arith.constant 6 : i32
      %mul3A_520 = arith.muli %scan3A_368, %mul3A_519 : i32
      %add3A_521 = arith.constant 4 : i32
      %add3A_522 = arith.addi %mul3A_520, %add3A_521 : i32
      %add3A_523 = arith.constant 4 : i32
      %add3A_524 = arith.addi %add3A_522, %add3A_523 : i32
      %lt3A_525 = arith.constant 72 : i32
      %lt3A_526 = arith.cmpi slt, %add3A_524, %lt3A_525 : i32
      %convert_element_type3A_527 = arith.extui %lt3A_526 : i1 to i32
      %cond3A_528 = arith.constant 0 : i32
      %cond3A_529 = arith.cmpi ne, %convert_element_type3A_527, %cond3A_528 : i32
      scf.if %cond3A_529 {
        %mul3A_595 = arith.constant 16 : i32
        %mul3A_596 = arith.muli %add3A_524, %mul3A_595 : i32
        %add3A_597 = arith.addi %mul3A_2, %mul3A_596 : i32
        %add3A_598 = arith.constant 0 : i32
        %add3A_599 = arith.addi %add3A_597, %add3A_598 : i32
        %jit3A_600 = arith.constant 2048 : i32
        %div3A_601 = arith.divsi %add3A_599, %jit3A_600 : i32
        %sign3A_602 = arith.constant 0 : i32
        %sign3A_603 = arith.cmpi sgt, %add3A_599, %sign3A_602 : i32
        %sign3A_604 = arith.extui %sign3A_603 : i1 to i32
        %sign3A_605 = arith.constant 0 : i32
        %sign3A_606 = arith.cmpi slt, %add3A_599, %sign3A_605 : i32
        %sign3A_607 = arith.extui %sign3A_606 : i1 to i32
        %sign3A_608 = arith.subi %sign3A_604, %sign3A_607 : i32
        %sign3A_609 = arith.constant 0 : i32
        %sign3A_610 = arith.cmpi sgt, %jit3A_600, %sign3A_609 : i32
        %sign3A_611 = arith.extui %sign3A_610 : i1 to i32
        %sign3A_612 = arith.constant 0 : i32
        %sign3A_613 = arith.cmpi slt, %jit3A_600, %sign3A_612 : i32
        %sign3A_614 = arith.extui %sign3A_613 : i1 to i32
        %sign3A_615 = arith.subi %sign3A_611, %sign3A_614 : i32
        %ne3A_616 = arith.cmpi ne, %sign3A_608, %sign3A_615 : i32
        %rem3A_617 = arith.remsi %add3A_599, %jit3A_600 : i32
        %ne3A_618 = arith.constant 0 : i32
        %ne3A_619 = arith.cmpi ne, %rem3A_617, %ne3A_618 : i32
        %and3A_620 = arith.andi %ne3A_616, %ne3A_619 : i1
        %sub3A_621 = arith.constant 1 : i32
        %sub3A_622 = arith.subi %div3A_601, %sub3A_621 : i32
        %select_n3A_623 = arith.select %and3A_620, %sub3A_622, %div3A_601 : i32
        %jit3A_624 = arith.constant 9 : i32
        %eq3A_625 = arith.constant 0 : i32
        %eq3A_626 = arith.cmpi eq, %jit3A_624, %eq3A_625 : i32
        %jit3A_627 = arith.constant 1 : i32
        %select_n3A_628 = arith.select %eq3A_626, %jit3A_627, %jit3A_624 : i32
        %rem3A_629 = arith.remsi %select_n3A_623, %select_n3A_628 : i32
        %ne3A_630 = arith.constant 0 : i32
        %ne3A_631 = arith.cmpi ne, %rem3A_629, %ne3A_630 : i32
        %lt3A_632 = arith.constant 0 : i32
        %lt3A_633 = arith.cmpi slt, %rem3A_629, %lt3A_632 : i32
        %lt3A_634 = arith.constant 0 : i32
        %lt3A_635 = arith.cmpi slt, %select_n3A_628, %lt3A_634 : i32
        %ne3A_636 = arith.xori %lt3A_633, %lt3A_635 : i1
        %and3A_637 = arith.andi %ne3A_636, %ne3A_631 : i1
        %add3A_638 = arith.addi %rem3A_629, %select_n3A_628 : i32
        %select_n3A_639 = arith.select %and3A_637, %add3A_638, %rem3A_629 : i32
        %eq3A_640 = arith.constant 0 : i32
        %eq3A_641 = arith.cmpi eq, %select_n3A_639, %eq3A_640 : i32
        %mul3A_642 = arith.constant 2050 : i32
        %mul3A_643 = arith.muli %mul3A_642, %select_n3A_639 : i32
        %add3A_644 = arith.constant 2048 : i32
        %add3A_645 = arith.addi %add3A_644, %mul3A_643 : i32
        %jit3A_646 = arith.constant 0 : i32
        %select_n3A_647 = arith.select %eq3A_641, %jit3A_646, %add3A_645 : i32
        %mul3A_648 = arith.constant 16 : i32
        %mul3A_649 = arith.muli %add3A_524, %mul3A_648 : i32
        %add3A_650 = arith.constant 0 : i32
        %add3A_651 = arith.addi %mul3A_649, %add3A_650 : i32
        %get3A_652 = arith.index_cast %add3A_651 : i32 to index
        %get3A_653 = tpu.vector_load %arg5[%get3A_652] {strides = array<i32>} : memref<1152xi32, #tpu.memory_space<vmem>>, vector<16xi32>,
        %get3A_654 = vector.shape_cast %get3A_653 : vector<16xi32> to vector<16xi32>
        %add3A_655 = vector.broadcast %select_n3A_647 : i32 to vector<16xi32>
        %add3A_656 = arith.addi %get3A_654, %add3A_655 : vector<16xi32>
        %swap3A_657 = arith.index_cast %add3A_651 : i32 to index
        %swap3A_658 = tpu.vector_load %arg5[%swap3A_657] {strides = array<i32>} : memref<1152xi32, #tpu.memory_space<vmem>>, vector<16xi32>,
        %swap3A_659 = vector.shape_cast %swap3A_658 : vector<16xi32> to vector<16xi32>
        %swap3A_660 = vector.shape_cast %add3A_656 : vector<16xi32> to vector<16xi32>
        tpu.vector_store %arg5[%swap3A_657], %swap3A_660 {strides = array<i32>} : memref<1152xi32, #tpu.memory_space<vmem>>, vector<16xi32>,
        %ge3A = arith.constant 2 : i32
        %ge3A_661 = arith.cmpi sge, %add3A_522, %ge3A : i32
        %convert_element_type3A_662 = arith.extui %ge3A_661 : i1 to i32
        %cond3A_663 = arith.constant 0 : i32
        %cond3A_664 = arith.cmpi ne, %convert_element_type3A_662, %cond3A_663 : i32
        scf.if %cond3A_664 {
          %add3A_676 = arith.constant 0 : i32
          %add3A_677 = arith.addi %mul3A_2, %add3A_676 : i32
          %dma_wait3A_678 = arith.constant 2 : i32
          %dma_wait3A_679 = arith.constant 0 : i32
          %dma_wait3A_680 = arith.constant 0 : i32
          %dma_wait3A_681 = tpu.memref_slice %arg6[%dma_wait3A_678, %dma_wait3A_679, %dma_wait3A_680] : memref<6x16x1024xf32, #tpu.memory_space<vmem>> -> memref<1x16x1024xf32, #tpu.memory_space<vmem>>
          %dma_wait3A_682 = tpu.memref_squeeze %dma_wait3A_681 : memref<1x16x1024xf32, #tpu.memory_space<vmem>> -> memref<16x1024xf32, #tpu.memory_space<vmem>>
          %dma_wait3A_683 = arith.constant 0 : i32
          %dma_wait3A_684 = tpu.memref_slice %arg4[%add3A_677, %dma_wait3A_683] : memref<36864x1024xf32, #tpu.memory_space<hbm>> -> memref<16x1024xf32, #tpu.memory_space<hbm>>
          %dma_wait3A_685 = arith.constant 0 : i32
          %dma_wait3A_686 = tpu.memref_slice %arg4[%add3A_677, %dma_wait3A_685] : memref<36864x1024xf32, #tpu.memory_space<hbm>> -> memref<16x1024xf32, #tpu.memory_space<hbm>>
          %dma_wait3A_687 = arith.constant 0 : i32
          %dma_wait3A_688 = arith.constant 0 : i32
          %dma_wait3A_689 = tpu.memref_slice %arg6[%dma_wait3A_678, %dma_wait3A_687, %dma_wait3A_688] : memref<6x16x1024xf32, #tpu.memory_space<vmem>> -> memref<1x16x1024xf32, #tpu.memory_space<vmem>>
          %dma_wait3A_690 = tpu.memref_squeeze %dma_wait3A_689 : memref<1x16x1024xf32, #tpu.memory_space<vmem>> -> memref<16x1024xf32, #tpu.memory_space<vmem>>
          tpu.wait_dma2 semaphore(%arg8 : memref<!tpu.dma_semaphore, #tpu.memory_space<semaphore_mem>>) src(%dma_wait3A_690 : memref<16x1024xf32, #tpu.memory_space<vmem>>) dst(%dma_wait3A_686 : memref<16x1024xf32, #tpu.memory_space<hbm>>)
        } else {
        }
        %mul3A_665 = arith.constant 16 : i32
        %mul3A_666 = arith.muli %add3A_524, %mul3A_665 : i32
        %dma_start3A_667 = arith.constant 2 : i32
        %dma_start3A_668 = arith.constant 0 : i32
        %dma_start3A_669 = arith.constant 0 : i32
        %dma_start3A_670 = tpu.memref_slice %arg6[%dma_start3A_667, %dma_start3A_668, %dma_start3A_669] : memref<6x16x1024xf32, #tpu.memory_space<vmem>> -> memref<1x16x1024xf32, #tpu.memory_space<vmem>>
        %dma_start3A_671 = tpu.memref_squeeze %dma_start3A_670 : memref<1x16x1024xf32, #tpu.memory_space<vmem>> -> memref<16x1024xf32, #tpu.memory_space<vmem>>
        %dma_start3A_672 = tpu.memref_slice %arg5[%mul3A_666] : memref<1152xi32, #tpu.memory_space<vmem>> -> memref<16xi32, #tpu.memory_space<vmem>>
        %dma_start3A_673 = arith.constant 0 : i32
        %dma_start3A_674 = arith.constant 0 : i32
        %dma_start3A_675 = tpu.memref_slice %arg3[%dma_start3A_673, %dma_start3A_674] : memref<20608x1024xf32, #tpu.memory_space<hbm>> -> memref<20608x1024xf32, #tpu.memory_space<hbm>>
        tpu.enqueue_indirect_dma source(%dma_start3A_675 : memref<20608x1024xf32, #tpu.memory_space<hbm>>) target(%dma_start3A_671 : memref<16x1024xf32, #tpu.memory_space<vmem>>) offsets(%dma_start3A_672 : memref<16xi32, #tpu.memory_space<vmem>>) semaphore(%arg7 : memref<!tpu.dma_semaphore, #tpu.memory_space<semaphore_mem>>)
      } else {
      }
      %mul3A_530 = arith.constant 16 : i32
      %mul3A_531 = arith.muli %add3A_522, %mul3A_530 : i32
      %dma_wait3A_532 = arith.constant 4 : i32
      %dma_wait3A_533 = arith.constant 0 : i32
      %dma_wait3A_534 = arith.constant 0 : i32
      %dma_wait3A_535 = tpu.memref_slice %arg6[%dma_wait3A_532, %dma_wait3A_533, %dma_wait3A_534] : memref<6x16x1024xf32, #tpu.memory_space<vmem>> -> memref<1x16x1024xf32, #tpu.memory_space<vmem>>
      %dma_wait3A_536 = tpu.memref_squeeze %dma_wait3A_535 : memref<1x16x1024xf32, #tpu.memory_space<vmem>> -> memref<16x1024xf32, #tpu.memory_space<vmem>>
      %dma_wait3A_537 = tpu.memref_slice %arg5[%mul3A_531] : memref<1152xi32, #tpu.memory_space<vmem>> -> memref<16xi32, #tpu.memory_space<vmem>>
      %dma_wait3A_538 = arith.constant 0 : i32
      %dma_wait3A_539 = arith.constant 0 : i32
      %dma_wait3A_540 = tpu.memref_slice %arg3[%dma_wait3A_538, %dma_wait3A_539] : memref<20608x1024xf32, #tpu.memory_space<hbm>> -> memref<20608x1024xf32, #tpu.memory_space<hbm>>
      tpu.wait_indirect_dma semaphore(%arg7 : memref<!tpu.dma_semaphore, #tpu.memory_space<semaphore_mem>>) src(%dma_wait3A_540 : memref<20608x1024xf32, #tpu.memory_space<hbm>>) dst(%dma_wait3A_536 : memref<16x1024xf32, #tpu.memory_space<vmem>>)
      %mul3A_541 = arith.constant 16 : i32
      %mul3A_542 = arith.muli %add3A_522, %mul3A_541 : i32
      %add3A_543 = arith.addi %mul3A_2, %mul3A_542 : i32
      %dma_start3A_544 = arith.constant 4 : i32
      %dma_start3A_545 = arith.constant 0 : i32
      %dma_start3A_546 = arith.constant 0 : i32
      %dma_start3A_547 = tpu.memref_slice %arg6[%dma_start3A_544, %dma_start3A_545, %dma_start3A_546] : memref<6x16x1024xf32, #tpu.memory_space<vmem>> -> memref<1x16x1024xf32, #tpu.memory_space<vmem>>
      %dma_start3A_548 = tpu.memref_squeeze %dma_start3A_547 : memref<1x16x1024xf32, #tpu.memory_space<vmem>> -> memref<16x1024xf32, #tpu.memory_space<vmem>>
      %dma_start3A_549 = arith.constant 0 : i32
      %dma_start3A_550 = tpu.memref_slice %arg4[%add3A_543, %dma_start3A_549] : memref<36864x1024xf32, #tpu.memory_space<hbm>> -> memref<16x1024xf32, #tpu.memory_space<hbm>>
      %dma_start3A_551 = arith.constant 0 : i32
      %dma_start3A_552 = tpu.memref_slice %arg4[%add3A_543, %dma_start3A_551] : memref<36864x1024xf32, #tpu.memory_space<hbm>> -> memref<16x1024xf32, #tpu.memory_space<hbm>>
      %dma_start3A_553 = arith.constant 0 : i32
      %dma_start3A_554 = arith.constant 0 : i32
      %dma_start3A_555 = tpu.memref_slice %arg6[%dma_start3A_544, %dma_start3A_553, %dma_start3A_554] : memref<6x16x1024xf32, #tpu.memory_space<vmem>> -> memref<1x16x1024xf32, #tpu.memory_space<vmem>>
      %dma_start3A_556 = tpu.memref_squeeze %dma_start3A_555 : memref<1x16x1024xf32, #tpu.memory_space<vmem>> -> memref<16x1024xf32, #tpu.memory_space<vmem>>
      tpu.enqueue_dma source(%dma_start3A_556 : memref<16x1024xf32, #tpu.memory_space<vmem>>) target(%dma_start3A_552 : memref<16x1024xf32, #tpu.memory_space<hbm>>) target_semaphore(%arg8 : memref<!tpu.dma_semaphore, #tpu.memory_space<semaphore_mem>>)
      %mul3A_557 = arith.constant 6 : i32
      %mul3A_558 = arith.muli %scan3A_368, %mul3A_557 : i32
      %add3A_559 = arith.constant 5 : i32
      %add3A_560 = arith.addi %mul3A_558, %add3A_559 : i32
      %add3A_561 = arith.constant 4 : i32
      %add3A_562 = arith.addi %add3A_560, %add3A_561 : i32
      %lt3A_563 = arith.constant 72 : i32
      %lt3A_564 = arith.cmpi slt, %add3A_562, %lt3A_563 : i32
      %convert_element_type3A_565 = arith.extui %lt3A_564 : i1 to i32
      %cond3A_566 = arith.constant 0 : i32
      %cond3A_567 = arith.cmpi ne, %convert_element_type3A_565, %cond3A_566 : i32
      scf.if %cond3A_567 {
        %mul3A_595 = arith.constant 16 : i32
        %mul3A_596 = arith.muli %add3A_562, %mul3A_595 : i32
        %add3A_597 = arith.addi %mul3A_2, %mul3A_596 : i32
        %add3A_598 = arith.constant 0 : i32
        %add3A_599 = arith.addi %add3A_597, %add3A_598 : i32
        %jit3A_600 = arith.constant 2048 : i32
        %div3A_601 = arith.divsi %add3A_599, %jit3A_600 : i32
        %sign3A_602 = arith.constant 0 : i32
        %sign3A_603 = arith.cmpi sgt, %add3A_599, %sign3A_602 : i32
        %sign3A_604 = arith.extui %sign3A_603 : i1 to i32
        %sign3A_605 = arith.constant 0 : i32
        %sign3A_606 = arith.cmpi slt, %add3A_599, %sign3A_605 : i32
        %sign3A_607 = arith.extui %sign3A_606 : i1 to i32
        %sign3A_608 = arith.subi %sign3A_604, %sign3A_607 : i32
        %sign3A_609 = arith.constant 0 : i32
        %sign3A_610 = arith.cmpi sgt, %jit3A_600, %sign3A_609 : i32
        %sign3A_611 = arith.extui %sign3A_610 : i1 to i32
        %sign3A_612 = arith.constant 0 : i32
        %sign3A_613 = arith.cmpi slt, %jit3A_600, %sign3A_612 : i32
        %sign3A_614 = arith.extui %sign3A_613 : i1 to i32
        %sign3A_615 = arith.subi %sign3A_611, %sign3A_614 : i32
        %ne3A_616 = arith.cmpi ne, %sign3A_608, %sign3A_615 : i32
        %rem3A_617 = arith.remsi %add3A_599, %jit3A_600 : i32
        %ne3A_618 = arith.constant 0 : i32
        %ne3A_619 = arith.cmpi ne, %rem3A_617, %ne3A_618 : i32
        %and3A_620 = arith.andi %ne3A_616, %ne3A_619 : i1
        %sub3A_621 = arith.constant 1 : i32
        %sub3A_622 = arith.subi %div3A_601, %sub3A_621 : i32
        %select_n3A_623 = arith.select %and3A_620, %sub3A_622, %div3A_601 : i32
        %jit3A_624 = arith.constant 9 : i32
        %eq3A_625 = arith.constant 0 : i32
        %eq3A_626 = arith.cmpi eq, %jit3A_624, %eq3A_625 : i32
        %jit3A_627 = arith.constant 1 : i32
        %select_n3A_628 = arith.select %eq3A_626, %jit3A_627, %jit3A_624 : i32
        %rem3A_629 = arith.remsi %select_n3A_623, %select_n3A_628 : i32
        %ne3A_630 = arith.constant 0 : i32
        %ne3A_631 = arith.cmpi ne, %rem3A_629, %ne3A_630 : i32
        %lt3A_632 = arith.constant 0 : i32
        %lt3A_633 = arith.cmpi slt, %rem3A_629, %lt3A_632 : i32
        %lt3A_634 = arith.constant 0 : i32
        %lt3A_635 = arith.cmpi slt, %select_n3A_628, %lt3A_634 : i32
        %ne3A_636 = arith.xori %lt3A_633, %lt3A_635 : i1
        %and3A_637 = arith.andi %ne3A_636, %ne3A_631 : i1
        %add3A_638 = arith.addi %rem3A_629, %select_n3A_628 : i32
        %select_n3A_639 = arith.select %and3A_637, %add3A_638, %rem3A_629 : i32
        %eq3A_640 = arith.constant 0 : i32
        %eq3A_641 = arith.cmpi eq, %select_n3A_639, %eq3A_640 : i32
        %mul3A_642 = arith.constant 2050 : i32
        %mul3A_643 = arith.muli %mul3A_642, %select_n3A_639 : i32
        %add3A_644 = arith.constant 2048 : i32
        %add3A_645 = arith.addi %add3A_644, %mul3A_643 : i32
        %jit3A_646 = arith.constant 0 : i32
        %select_n3A_647 = arith.select %eq3A_641, %jit3A_646, %add3A_645 : i32
        %mul3A_648 = arith.constant 16 : i32
        %mul3A_649 = arith.muli %add3A_562, %mul3A_648 : i32
        %add3A_650 = arith.constant 0 : i32
        %add3A_651 = arith.addi %mul3A_649, %add3A_650 : i32
        %get3A_652 = arith.index_cast %add3A_651 : i32 to index
        %get3A_653 = tpu.vector_load %arg5[%get3A_652] {strides = array<i32>} : memref<1152xi32, #tpu.memory_space<vmem>>, vector<16xi32>,
        %get3A_654 = vector.shape_cast %get3A_653 : vector<16xi32> to vector<16xi32>
        %add3A_655 = vector.broadcast %select_n3A_647 : i32 to vector<16xi32>
        %add3A_656 = arith.addi %get3A_654, %add3A_655 : vector<16xi32>
        %swap3A_657 = arith.index_cast %add3A_651 : i32 to index
        %swap3A_658 = tpu.vector_load %arg5[%swap3A_657] {strides = array<i32>} : memref<1152xi32, #tpu.memory_space<vmem>>, vector<16xi32>,
        %swap3A_659 = vector.shape_cast %swap3A_658 : vector<16xi32> to vector<16xi32>
        %swap3A_660 = vector.shape_cast %add3A_656 : vector<16xi32> to vector<16xi32>
        tpu.vector_store %arg5[%swap3A_657], %swap3A_660 {strides = array<i32>} : memref<1152xi32, #tpu.memory_space<vmem>>, vector<16xi32>,
        %ge3A = arith.constant 2 : i32
        %ge3A_661 = arith.cmpi sge, %add3A_560, %ge3A : i32
        %convert_element_type3A_662 = arith.extui %ge3A_661 : i1 to i32
        %cond3A_663 = arith.constant 0 : i32
        %cond3A_664 = arith.cmpi ne, %convert_element_type3A_662, %cond3A_663 : i32
        scf.if %cond3A_664 {
          %add3A_676 = arith.constant 0 : i32
          %add3A_677 = arith.addi %mul3A_2, %add3A_676 : i32
          %dma_wait3A_678 = arith.constant 3 : i32
          %dma_wait3A_679 = arith.constant 0 : i32
          %dma_wait3A_680 = arith.constant 0 : i32
          %dma_wait3A_681 = tpu.memref_slice %arg6[%dma_wait3A_678, %dma_wait3A_679, %dma_wait3A_680] : memref<6x16x1024xf32, #tpu.memory_space<vmem>> -> memref<1x16x1024xf32, #tpu.memory_space<vmem>>
          %dma_wait3A_682 = tpu.memref_squeeze %dma_wait3A_681 : memref<1x16x1024xf32, #tpu.memory_space<vmem>> -> memref<16x1024xf32, #tpu.memory_space<vmem>>
          %dma_wait3A_683 = arith.constant 0 : i32
          %dma_wait3A_684 = tpu.memref_slice %arg4[%add3A_677, %dma_wait3A_683] : memref<36864x1024xf32, #tpu.memory_space<hbm>> -> memref<16x1024xf32, #tpu.memory_space<hbm>>
          %dma_wait3A_685 = arith.constant 0 : i32
          %dma_wait3A_686 = tpu.memref_slice %arg4[%add3A_677, %dma_wait3A_685] : memref<36864x1024xf32, #tpu.memory_space<hbm>> -> memref<16x1024xf32, #tpu.memory_space<hbm>>
          %dma_wait3A_687 = arith.constant 0 : i32
          %dma_wait3A_688 = arith.constant 0 : i32
          %dma_wait3A_689 = tpu.memref_slice %arg6[%dma_wait3A_678, %dma_wait3A_687, %dma_wait3A_688] : memref<6x16x1024xf32, #tpu.memory_space<vmem>> -> memref<1x16x1024xf32, #tpu.memory_space<vmem>>
          %dma_wait3A_690 = tpu.memref_squeeze %dma_wait3A_689 : memref<1x16x1024xf32, #tpu.memory_space<vmem>> -> memref<16x1024xf32, #tpu.memory_space<vmem>>
          tpu.wait_dma2 semaphore(%arg8 : memref<!tpu.dma_semaphore, #tpu.memory_space<semaphore_mem>>) src(%dma_wait3A_690 : memref<16x1024xf32, #tpu.memory_space<vmem>>) dst(%dma_wait3A_686 : memref<16x1024xf32, #tpu.memory_space<hbm>>)
        } else {
        }
        %mul3A_665 = arith.constant 16 : i32
        %mul3A_666 = arith.muli %add3A_562, %mul3A_665 : i32
        %dma_start3A_667 = arith.constant 3 : i32
        %dma_start3A_668 = arith.constant 0 : i32
        %dma_start3A_669 = arith.constant 0 : i32
        %dma_start3A_670 = tpu.memref_slice %arg6[%dma_start3A_667, %dma_start3A_668, %dma_start3A_669] : memref<6x16x1024xf32, #tpu.memory_space<vmem>> -> memref<1x16x1024xf32, #tpu.memory_space<vmem>>
        %dma_start3A_671 = tpu.memref_squeeze %dma_start3A_670 : memref<1x16x1024xf32, #tpu.memory_space<vmem>> -> memref<16x1024xf32, #tpu.memory_space<vmem>>
        %dma_start3A_672 = tpu.memref_slice %arg5[%mul3A_666] : memref<1152xi32, #tpu.memory_space<vmem>> -> memref<16xi32, #tpu.memory_space<vmem>>
        %dma_start3A_673 = arith.constant 0 : i32
        %dma_start3A_674 = arith.constant 0 : i32
        %dma_start3A_675 = tpu.memref_slice %arg3[%dma_start3A_673, %dma_start3A_674] : memref<20608x1024xf32, #tpu.memory_space<hbm>> -> memref<20608x1024xf32, #tpu.memory_space<hbm>>
        tpu.enqueue_indirect_dma source(%dma_start3A_675 : memref<20608x1024xf32, #tpu.memory_space<hbm>>) target(%dma_start3A_671 : memref<16x1024xf32, #tpu.memory_space<vmem>>) offsets(%dma_start3A_672 : memref<16xi32, #tpu.memory_space<vmem>>) semaphore(%arg7 : memref<!tpu.dma_semaphore, #tpu.memory_space<semaphore_mem>>)
      } else {
      }
      %mul3A_568 = arith.constant 16 : i32
      %mul3A_569 = arith.muli %add3A_560, %mul3A_568 : i32
      %dma_wait3A_570 = arith.constant 5 : i32
      %dma_wait3A_571 = arith.constant 0 : i32
      %dma_wait3A_572 = arith.constant 0 : i32
      %dma_wait3A_573 = tpu.memref_slice %arg6[%dma_wait3A_570, %dma_wait3A_571, %dma_wait3A_572] : memref<6x16x1024xf32, #tpu.memory_space<vmem>> -> memref<1x16x1024xf32, #tpu.memory_space<vmem>>
      %dma_wait3A_574 = tpu.memref_squeeze %dma_wait3A_573 : memref<1x16x1024xf32, #tpu.memory_space<vmem>> -> memref<16x1024xf32, #tpu.memory_space<vmem>>
      %dma_wait3A_575 = tpu.memref_slice %arg5[%mul3A_569] : memref<1152xi32, #tpu.memory_space<vmem>> -> memref<16xi32, #tpu.memory_space<vmem>>
      %dma_wait3A_576 = arith.constant 0 : i32
      %dma_wait3A_577 = arith.constant 0 : i32
      %dma_wait3A_578 = tpu.memref_slice %arg3[%dma_wait3A_576, %dma_wait3A_577] : memref<20608x1024xf32, #tpu.memory_space<hbm>> -> memref<20608x1024xf32, #tpu.memory_space<hbm>>
      tpu.wait_indirect_dma semaphore(%arg7 : memref<!tpu.dma_semaphore, #tpu.memory_space<semaphore_mem>>) src(%dma_wait3A_578 : memref<20608x1024xf32, #tpu.memory_space<hbm>>) dst(%dma_wait3A_574 : memref<16x1024xf32, #tpu.memory_space<vmem>>)
      %mul3A_579 = arith.constant 16 : i32
      %mul3A_580 = arith.muli %add3A_560, %mul3A_579 : i32
      %add3A_581 = arith.addi %mul3A_2, %mul3A_580 : i32
      %dma_start3A_582 = arith.constant 5 : i32
      %dma_start3A_583 = arith.constant 0 : i32
      %dma_start3A_584 = arith.constant 0 : i32
      %dma_start3A_585 = tpu.memref_slice %arg6[%dma_start3A_582, %dma_start3A_583, %dma_start3A_584] : memref<6x16x1024xf32, #tpu.memory_space<vmem>> -> memref<1x16x1024xf32, #tpu.memory_space<vmem>>
      %dma_start3A_586 = tpu.memref_squeeze %dma_start3A_585 : memref<1x16x1024xf32, #tpu.memory_space<vmem>> -> memref<16x1024xf32, #tpu.memory_space<vmem>>
      %dma_start3A_587 = arith.constant 0 : i32
      %dma_start3A_588 = tpu.memref_slice %arg4[%add3A_581, %dma_start3A_587] : memref<36864x1024xf32, #tpu.memory_space<hbm>> -> memref<16x1024xf32, #tpu.memory_space<hbm>>
      %dma_start3A_589 = arith.constant 0 : i32
      %dma_start3A_590 = tpu.memref_slice %arg4[%add3A_581, %dma_start3A_589] : memref<36864x1024xf32, #tpu.memory_space<hbm>> -> memref<16x1024xf32, #tpu.memory_space<hbm>>
      %dma_start3A_591 = arith.constant 0 : i32
      %dma_start3A_592 = arith.constant 0 : i32
      %dma_start3A_593 = tpu.memref_slice %arg6[%dma_start3A_582, %dma_start3A_591, %dma_start3A_592] : memref<6x16x1024xf32, #tpu.memory_space<vmem>> -> memref<1x16x1024xf32, #tpu.memory_space<vmem>>
      %dma_start3A_594 = tpu.memref_squeeze %dma_start3A_593 : memref<1x16x1024xf32, #tpu.memory_space<vmem>> -> memref<16x1024xf32, #tpu.memory_space<vmem>>
      tpu.enqueue_dma source(%dma_start3A_594 : memref<16x1024xf32, #tpu.memory_space<vmem>>) target(%dma_start3A_590 : memref<16x1024xf32, #tpu.memory_space<hbm>>) target_semaphore(%arg8 : memref<!tpu.dma_semaphore, #tpu.memory_space<semaphore_mem>>)
    }
    %scan3A_278 = arith.constant 12 : i32
    %add3A_279 = arith.constant 1136 : i32
    %add3A_280 = arith.addi %mul3A_2, %add3A_279 : i32
    %dma_wait3A = arith.constant 5 : i32
    %dma_wait3A_281 = arith.constant 0 : i32
    %dma_wait3A_282 = arith.constant 0 : i32
    %dma_wait3A_283 = tpu.memref_slice %arg6[%dma_wait3A, %dma_wait3A_281, %dma_wait3A_282] : memref<6x16x1024xf32, #tpu.memory_space<vmem>> -> memref<1x16x1024xf32, #tpu.memory_space<vmem>>
    %dma_wait3A_284 = tpu.memref_squeeze %dma_wait3A_283 : memref<1x16x1024xf32, #tpu.memory_space<vmem>> -> memref<16x1024xf32, #tpu.memory_space<vmem>>
    %dma_wait3A_285 = arith.constant 0 : i32
    %dma_wait3A_286 = tpu.memref_slice %arg4[%add3A_280, %dma_wait3A_285] : memref<36864x1024xf32, #tpu.memory_space<hbm>> -> memref<16x1024xf32, #tpu.memory_space<hbm>>
    %dma_wait3A_287 = arith.constant 0 : i32
    %dma_wait3A_288 = tpu.memref_slice %arg4[%add3A_280, %dma_wait3A_287] : memref<36864x1024xf32, #tpu.memory_space<hbm>> -> memref<16x1024xf32, #tpu.memory_space<hbm>>
    %dma_wait3A_289 = arith.constant 0 : i32
    %dma_wait3A_290 = arith.constant 0 : i32
    %dma_wait3A_291 = tpu.memref_slice %arg6[%dma_wait3A, %dma_wait3A_289, %dma_wait3A_290] : memref<6x16x1024xf32, #tpu.memory_space<vmem>> -> memref<1x16x1024xf32, #tpu.memory_space<vmem>>
    %dma_wait3A_292 = tpu.memref_squeeze %dma_wait3A_291 : memref<1x16x1024xf32, #tpu.memory_space<vmem>> -> memref<16x1024xf32, #tpu.memory_space<vmem>>
    tpu.wait_dma2 semaphore(%arg8 : memref<!tpu.dma_semaphore, #tpu.memory_space<semaphore_mem>>) src(%dma_wait3A_292 : memref<16x1024xf32, #tpu.memory_space<vmem>>) dst(%dma_wait3A_288 : memref<16x1024xf32, #tpu.memory_space<hbm>>)
    %add3A_293 = arith.constant 1120 : i32
    %add3A_294 = arith.addi %mul3A_2, %add3A_293 : i32
    %dma_wait3A_295 = arith.constant 4 : i32
    %dma_wait3A_296 = arith.constant 0 : i32
    %dma_wait3A_297 = arith.constant 0 : i32
    %dma_wait3A_298 = tpu.memref_slice %arg6[%dma_wait3A_295, %dma_wait3A_296, %dma_wait3A_297] : memref<6x16x1024xf32, #tpu.memory_space<vmem>> -> memref<1x16x1024xf32, #tpu.memory_space<vmem>>
    %dma_wait3A_299 = tpu.memref_squeeze %dma_wait3A_298 : memref<1x16x1024xf32, #tpu.memory_space<vmem>> -> memref<16x1024xf32, #tpu.memory_space<vmem>>
    %dma_wait3A_300 = arith.constant 0 : i32
    %dma_wait3A_301 = tpu.memref_slice %arg4[%add3A_294, %dma_wait3A_300] : memref<36864x1024xf32, #tpu.memory_space<hbm>> -> memref<16x1024xf32, #tpu.memory_space<hbm>>
    %dma_wait3A_302 = arith.constant 0 : i32
    %dma_wait3A_303 = tpu.memref_slice %arg4[%add3A_294, %dma_wait3A_302] : memref<36864x1024xf32, #tpu.memory_space<hbm>> -> memref<16x1024xf32, #tpu.memory_space<hbm>>
    %dma_wait3A_304 = arith.constant 0 : i32
    %dma_wait3A_305 = arith.constant 0 : i32
    %dma_wait3A_306 = tpu.memref_slice %arg6[%dma_wait3A_295, %dma_wait3A_304, %dma_wait3A_305] : memref<6x16x1024xf32, #tpu.memory_space<vmem>> -> memref<1x16x1024xf32, #tpu.memory_space<vmem>>
    %dma_wait3A_307 = tpu.memref_squeeze %dma_wait3A_306 : memref<1x16x1024xf32, #tpu.memory_space<vmem>> -> memref<16x1024xf32, #tpu.memory_space<vmem>>
    tpu.wait_dma2 semaphore(%arg8 : memref<!tpu.dma_semaphore, #tpu.memory_space<semaphore_mem>>) src(%dma_wait3A_307 : memref<16x1024xf32, #tpu.memory_space<vmem>>) dst(%dma_wait3A_303 : memref<16x1024xf32, #tpu.memory_space<hbm>>)
    %add3A_308 = arith.constant 1104 : i32
    %add3A_309 = arith.addi %mul3A_2, %add3A_308 : i32
    %dma_wait3A_310 = arith.constant 3 : i32
    %dma_wait3A_311 = arith.constant 0 : i32
    %dma_wait3A_312 = arith.constant 0 : i32
    %dma_wait3A_313 = tpu.memref_slice %arg6[%dma_wait3A_310, %dma_wait3A_311, %dma_wait3A_312] : memref<6x16x1024xf32, #tpu.memory_space<vmem>> -> memref<1x16x1024xf32, #tpu.memory_space<vmem>>
    %dma_wait3A_314 = tpu.memref_squeeze %dma_wait3A_313 : memref<1x16x1024xf32, #tpu.memory_space<vmem>> -> memref<16x1024xf32, #tpu.memory_space<vmem>>
    %dma_wait3A_315 = arith.constant 0 : i32
    %dma_wait3A_316 = tpu.memref_slice %arg4[%add3A_309, %dma_wait3A_315] : memref<36864x1024xf32, #tpu.memory_space<hbm>> -> memref<16x1024xf32, #tpu.memory_space<hbm>>
    %dma_wait3A_317 = arith.constant 0 : i32
    %dma_wait3A_318 = tpu.memref_slice %arg4[%add3A_309, %dma_wait3A_317] : memref<36864x1024xf32, #tpu.memory_space<hbm>> -> memref<16x1024xf32, #tpu.memory_space<hbm>>
    %dma_wait3A_319 = arith.constant 0 : i32
    %dma_wait3A_320 = arith.constant 0 : i32
    %dma_wait3A_321 = tpu.memref_slice %arg6[%dma_wait3A_310, %dma_wait3A_319, %dma_wait3A_320] : memref<6x16x1024xf32, #tpu.memory_space<vmem>> -> memref<1x16x1024xf32, #tpu.memory_space<vmem>>
    %dma_wait3A_322 = tpu.memref_squeeze %dma_wait3A_321 : memref<1x16x1024xf32, #tpu.memory_space<vmem>> -> memref<16x1024xf32, #tpu.memory_space<vmem>>
    tpu.wait_dma2 semaphore(%arg8 : memref<!tpu.dma_semaphore, #tpu.memory_space<semaphore_mem>>) src(%dma_wait3A_322 : memref<16x1024xf32, #tpu.memory_space<vmem>>) dst(%dma_wait3A_318 : memref<16x1024xf32, #tpu.memory_space<hbm>>)
    %add3A_323 = arith.constant 1088 : i32
    %add3A_324 = arith.addi %mul3A_2, %add3A_323 : i32
    %dma_wait3A_325 = arith.constant 2 : i32
    %dma_wait3A_326 = arith.constant 0 : i32
    %dma_wait3A_327 = arith.constant 0 : i32
    %dma_wait3A_328 = tpu.memref_slice %arg6[%dma_wait3A_325, %dma_wait3A_326, %dma_wait3A_327] : memref<6x16x1024xf32, #tpu.memory_space<vmem>> -> memref<1x16x1024xf32, #tpu.memory_space<vmem>>
    %dma_wait3A_329 = tpu.memref_squeeze %dma_wait3A_328 : memref<1x16x1024xf32, #tpu.memory_space<vmem>> -> memref<16x1024xf32, #tpu.memory_space<vmem>>
    %dma_wait3A_330 = arith.constant 0 : i32
    %dma_wait3A_331 = tpu.memref_slice %arg4[%add3A_324, %dma_wait3A_330] : memref<36864x1024xf32, #tpu.memory_space<hbm>> -> memref<16x1024xf32, #tpu.memory_space<hbm>>
    %dma_wait3A_332 = arith.constant 0 : i32
    %dma_wait3A_333 = tpu.memref_slice %arg4[%add3A_324, %dma_wait3A_332] : memref<36864x1024xf32, #tpu.memory_space<hbm>> -> memref<16x1024xf32, #tpu.memory_space<hbm>>
    %dma_wait3A_334 = arith.constant 0 : i32
    %dma_wait3A_335 = arith.constant 0 : i32
    %dma_wait3A_336 = tpu.memref_slice %arg6[%dma_wait3A_325, %dma_wait3A_334, %dma_wait3A_335] : memref<6x16x1024xf32, #tpu.memory_space<vmem>> -> memref<1x16x1024xf32, #tpu.memory_space<vmem>>
    %dma_wait3A_337 = tpu.memref_squeeze %dma_wait3A_336 : memref<1x16x1024xf32, #tpu.memory_space<vmem>> -> memref<16x1024xf32, #tpu.memory_space<vmem>>
    tpu.wait_dma2 semaphore(%arg8 : memref<!tpu.dma_semaphore, #tpu.memory_space<semaphore_mem>>) src(%dma_wait3A_337 : memref<16x1024xf32, #tpu.memory_space<vmem>>) dst(%dma_wait3A_333 : memref<16x1024xf32, #tpu.memory_space<hbm>>)
    %add3A_338 = arith.constant 1072 : i32
    %add3A_339 = arith.addi %mul3A_2, %add3A_338 : i32
    %dma_wait3A_340 = arith.constant 1 : i32
    %dma_wait3A_341 = arith.constant 0 : i32
    %dma_wait3A_342 = arith.constant 0 : i32
    %dma_wait3A_343 = tpu.memref_slice %arg6[%dma_wait3A_340, %dma_wait3A_341, %dma_wait3A_342] : memref<6x16x1024xf32, #tpu.memory_space<vmem>> -> memref<1x16x1024xf32, #tpu.memory_space<vmem>>
    %dma_wait3A_344 = tpu.memref_squeeze %dma_wait3A_343 : memref<1x16x1024xf32, #tpu.memory_space<vmem>> -> memref<16x1024xf32, #tpu.memory_space<vmem>>
    %dma_wait3A_345 = arith.constant 0 : i32
    %dma_wait3A_346 = tpu.memref_slice %arg4[%add3A_339, %dma_wait3A_345] : memref<36864x1024xf32, #tpu.memory_space<hbm>> -> memref<16x1024xf32, #tpu.memory_space<hbm>>
    %dma_wait3A_347 = arith.constant 0 : i32
    %dma_wait3A_348 = tpu.memref_slice %arg4[%add3A_339, %dma_wait3A_347] : memref<36864x1024xf32, #tpu.memory_space<hbm>> -> memref<16x1024xf32, #tpu.memory_space<hbm>>
    %dma_wait3A_349 = arith.constant 0 : i32
    %dma_wait3A_350 = arith.constant 0 : i32
    %dma_wait3A_351 = tpu.memref_slice %arg6[%dma_wait3A_340, %dma_wait3A_349, %dma_wait3A_350] : memref<6x16x1024xf32, #tpu.memory_space<vmem>> -> memref<1x16x1024xf32, #tpu.memory_space<vmem>>
    %dma_wait3A_352 = tpu.memref_squeeze %dma_wait3A_351 : memref<1x16x1024xf32, #tpu.memory_space<vmem>> -> memref<16x1024xf32, #tpu.memory_space<vmem>>
    tpu.wait_dma2 semaphore(%arg8 : memref<!tpu.dma_semaphore, #tpu.memory_space<semaphore_mem>>) src(%dma_wait3A_352 : memref<16x1024xf32, #tpu.memory_space<vmem>>) dst(%dma_wait3A_348 : memref<16x1024xf32, #tpu.memory_space<hbm>>)
    %add3A_353 = arith.constant 1056 : i32
    %add3A_354 = arith.addi %mul3A_2, %add3A_353 : i32
    %dma_wait3A_355 = arith.constant 0 : i32
    %dma_wait3A_356 = arith.constant 0 : i32
    %dma_wait3A_357 = arith.constant 0 : i32
    %dma_wait3A_358 = tpu.memref_slice %arg6[%dma_wait3A_355, %dma_wait3A_356, %dma_wait3A_357] : memref<6x16x1024xf32, #tpu.memory_space<vmem>> -> memref<1x16x1024xf32, #tpu.memory_space<vmem>>
    %dma_wait3A_359 = tpu.memref_squeeze %dma_wait3A_358 : memref<1x16x1024xf32, #tpu.memory_space<vmem>> -> memref<16x1024xf32, #tpu.memory_space<vmem>>
    %dma_wait3A_360 = arith.constant 0 : i32
    %dma_wait3A_361 = tpu.memref_slice %arg4[%add3A_354, %dma_wait3A_360] : memref<36864x1024xf32, #tpu.memory_space<hbm>> -> memref<16x1024xf32, #tpu.memory_space<hbm>>
    %dma_wait3A_362 = arith.constant 0 : i32
    %dma_wait3A_363 = tpu.memref_slice %arg4[%add3A_354, %dma_wait3A_362] : memref<36864x1024xf32, #tpu.memory_space<hbm>> -> memref<16x1024xf32, #tpu.memory_space<hbm>>
    %dma_wait3A_364 = arith.constant 0 : i32
    %dma_wait3A_365 = arith.constant 0 : i32
    %dma_wait3A_366 = tpu.memref_slice %arg6[%dma_wait3A_355, %dma_wait3A_364, %dma_wait3A_365] : memref<6x16x1024xf32, #tpu.memory_space<vmem>> -> memref<1x16x1024xf32, #tpu.memory_space<vmem>>
    %dma_wait3A_367 = tpu.memref_squeeze %dma_wait3A_366 : memref<1x16x1024xf32, #tpu.memory_space<vmem>> -> memref<16x1024xf32, #tpu.memory_space<vmem>>
    tpu.wait_dma2 semaphore(%arg8 : memref<!tpu.dma_semaphore, #tpu.memory_space<semaphore_mem>>) src(%dma_wait3A_367 : memref<16x1024xf32, #tpu.memory_space<vmem>>) dst(%dma_wait3A_363 : memref<16x1024xf32, #tpu.memory_space<hbm>>)
    return
  }
}

</mosaic_0001>

<sc_bundles>
// kernel: kernel.3.cloned.1.call-start
scs
__scs_entry_jumppad:
0x0: {  	(pc) =	sbr.rel $0x88, $3  }
0x1: {  	(tag) =	ssettag $0x0;
	lr =	simm.s32 $0x1  }
0x2: {  	[smem:$0x3F9F] =	sst lr;
	_ =	strace $0xD0000000  }
0x3: {  	_ = 	snop  }
0x4: {  	_ = 	snop  }
0x5: {  	_ = 	snop  }
0x6: {  	_ = 	snop  }
0x7: {  	_ = 	snop  }
__scs_overlays_trampoline_lowered:
0x8: {  	[smem:$0x3FAE] =	sst s0  }
0x9: {  	[smem:$0x3FAF] =	sst s1  }
0xa: {  	[smem:$0x3FB0] =	sst s2  }
0xb: {  	[smem:$0x3FB1] =	sst s3  }
0xc: {  	[smem:$0x3FB2] =	sst s4  }
0xd: {  	[smem:$0x3FB3] =	sst s5  }
0xe: {  	[smem:$0x3FB4] =	sst s6  }
0xf: {  	[smem:$0x3FB5] =	sst s7  }
0x10: {  	[smem:$0x3FB6] =	sst s8  }
0x11: {  	[smem:$0x3FB7] =	sst s9;
	s0 =	simm.s32 @!p0 $0x0  }
0x12: {  	s1 =	sld [smem:$0x3F9D];
	s0 =	simm.s32 @p0 $0x1  }
0x13: {  	[smem:$0x3FB8] =	sst s0;
	s0 =	simm.s32 @!p1 $0x0  }
0x14: {  	s2 =	sld [smem:$0x3F9C];
	s0 =	simm.s32 @p1 $0x1  }
0x15: {  	[smem:$0x3FB9] =	sst s0;
	s0 =	simm.s32 @!p2 $0x0  }
0x16: {  	s3 =	sld [smem:$0x3FDB];
	s0 =	simm.s32 @p2 $0x1  }
0x17: {  	s4 =	simm.s32 $0x1BF5;
	[smem:$0x3FBB] =	sst s0  }
0x18: {  	s0 =	sld [smem:$0x3F9E];
	_ =	swait.ge [sflag:s4], $0x0  }
0x19: {  	s7 =	sld [smem:$0x3F9F]  }
0x1a: {  	s8 =	sadd.s32 $0xFFFFE003, lr  }
0x1b: {  	s9 =	sadd.s32 $0xFFFFFEF7, lr;
	s5 =	simm.s32 $0xFFFFFFFF;
	p2 =	slt.u32 s8, $0xFFFFF086  }
0x1c: {  	p1 =	slt.u32 s9, $0xF7A;
	s5 =	simm.s32 @!p2 $0x0  }
0x1d: {  	s5 =	simm.s32 @p1 $0x1;
	p0 =	seq.s32 s7, s2  }
0x1e: {  	s7 =	smul.u32 @!p0 $0xF7A, s2;
	p2 =	seq.s32 @!p0 s5, $0x0  }
0x1f: {  	s9 =	smul.u32 $0xF7A, s1;
	s8 =	simm.s32 @!p0 $0x1BF5;
	p2 =	por !p2, p0  }
0x20: {  	[sflag:s8] =	ssyncset.s32 @!p0 $0xFFFFF086;
	s6 =	sadd.s32 @!p0 s3, s7;
	s7 =	simm.s32 @!p0 $0x108  }
0x21: {  	s3 =	sadd.s32 s3, s9;
	s6 =	sadd.s32 @!p0 $0x88, s6;
	s7 =	simm.s32 @p2 $0x1082  }
0x22: {  	[simem:s7], [sflag:s8] =	dma.local @!p0 [hbm:s6], $0xF7A  }
0x23: {  	s9 =	sor.u32 $0xD0000000, s2;
	s6 =	simm.s32 $0x108;
	_ =	swait.ge @!p0 [sflag:s8], $0x0  }
0x24: {  	s3 =	sadd.s32 $0x88, s3;
	s6 =	simm.s32 @!p1 $0x1082;
	[sflag:s4] =	ssyncset.s32 $0xFFFFF086  }
0x25: {  	[simem:s6], [sflag:s4] =	dma.local [hbm:s3], $0xF7A  }
0x26: {  	[smem:$0x3F9F] =	sst s1;
	(tag) =	ssettag s2;
	_ =	strace s9  }
0x27: {  	s1 =	sld [smem:$0x3FAF]  }
0x28: {  	s2 =	sld [smem:$0x3FB0]  }
0x29: {  	s4 =	sld [smem:$0x3FB2]  }
0x2a: {  	p0 =	seq.s32 s5, $0x0;
	s5 =	sld [smem:$0x3FB3]  }
0x2b: {  	s6 =	sld [smem:$0x3FB4]  }
0x2c: {  	s7 =	sld [smem:$0x3FB5]  }
0x2d: {  	s3 =	simm.s32 $0x108;
	s8 =	sld [smem:$0x3FB6]  }
0x2e: {  	s3 =	simm.s32 @!p0 $0x1082;
	s9 =	sld [smem:$0x3FB7]  }
0x2f: {  	lr =	sadd.s32 s0, s3;
	s0 =	sld [smem:$0x3FAE]  }
0x30: {  	s3 =	sld [smem:$0x3FB1]  }
0x31: {  	[smem:$0x3FBA] =	sst s10  }
0x32: {  	s10 =	sld [smem:$0x3FB8];
	_ =	sdelay $0x3  }
0x33: {  	p0 =	seq.s32 s10, $0x1;
	s10 =	sld [smem:$0x3FBA];
	_ =	sdelay $0x3  }
0x34: {  	[smem:$0x3FBA] =	sst s10  }
0x35: {  	s10 =	sld [smem:$0x3FB9];
	_ =	sdelay $0x3  }
0x36: {  	p1 =	seq.s32 s10, $0x1;
	s10 =	sld [smem:$0x3FBA];
	_ =	sdelay $0x3  }
0x37: {  	[smem:$0x3FBA] =	sst s10  }
0x38: {  	s10 =	sld [smem:$0x3FBB]  }
0x39: {  	_ = 	snop;
	(pc) =	sbr.ind lr, $3  }
0x3a: {  	_ = 	snop  }
0x3b: {  	_ = 	snop  }
0x3c: {  	p2 =	seq.s32 s10, $0x1;
	s10 =	sld [smem:$0x3FBA]  }
0x3d: {  	_ =	shalt  }
0x3e: {  	_ =	shalt  }
0x3f: {  	_ =	shalt  }
0x40: {  	_ =	shalt  }
0x41: {  	_ =	shalt  }
0x42: {  	_ =	shalt  }
0x43: {  	_ =	shalt  }
0x44: {  	_ =	shalt  }
0x45: {  	_ =	shalt  }
0x46: {  	_ =	shalt  }
0x47: {  	_ =	shalt  }
0x48: {  	_ =	shalt  }
0x49: {  	_ =	shalt  }
0x4a: {  	_ =	shalt  }
0x4b: {  	_ =	shalt  }
0x4c: {  	_ =	shalt  }
0x4d: {  	_ =	shalt  }
0x4e: {  	_ =	shalt  }
0x4f: {  	_ =	shalt  }
0x50: {  	_ =	shalt  }
0x51: {  	_ =	shalt  }
0x52: {  	_ =	shalt  }
0x53: {  	_ =	shalt  }
0x54: {  	_ =	shalt  }
0x55: {  	_ =	shalt  }
0x56: {  	_ =	shalt  }
0x57: {  	_ =	shalt  }
0x58: {  	_ =	shalt  }
0x59: {  	_ =	shalt  }
0x5a: {  	_ =	shalt  }
0x5b: {  	_ =	shalt  }
0x5c: {  	_ =	shalt  }
0x5d: {  	_ =	shalt  }
0x5e: {  	_ =	shalt  }
0x5f: {  	_ =	shalt  }
0x60: {  	_ =	shalt  }
0x61: {  	_ =	shalt  }
0x62: {  	_ =	shalt  }
0x63: {  	_ =	shalt  }
0x64: {  	_ =	shalt  }
0x65: {  	_ =	shalt  }
0x66: {  	_ =	shalt  }
0x67: {  	_ =	shalt  }
0x68: {  	_ =	shalt  }
0x69: {  	_ =	shalt  }
0x6a: {  	_ =	shalt  }
0x6b: {  	_ =	shalt  }
0x6c: {  	_ =	shalt  }
0x6d: {  	_ =	shalt  }
0x6e: {  	_ =	shalt  }
0x6f: {  	_ =	shalt  }
0x70: {  	_ =	shalt  }
0x71: {  	_ =	shalt  }
0x72: {  	_ =	shalt  }
0x73: {  	_ =	shalt  }
0x74: {  	_ =	shalt  }
0x75: {  	_ =	shalt  }
0x76: {  	_ =	shalt  }
0x77: {  	_ =	shalt  }
0x78: {  	_ =	shalt  }
0x79: {  	_ =	shalt  }
0x7a: {  	_ =	shalt  }
0x7b: {  	_ =	shalt  }
0x7c: {  	_ =	shalt  }
0x7d: {  	_ =	shalt  }
0x7e: {  	_ =	shalt  }
0x7f: {  	_ =	shalt  }
0x80: {  	_ =	shalt  }
0x81: {  	_ =	shalt  }
0x82: {  	_ =	shalt  }
0x83: {  	_ =	shalt  }
0x84: {  	_ =	shalt  }
0x85: {  	_ =	shalt  }
0x86: {  	_ =	shalt  }
0x87: {  	_ =	shalt  }
.Lfunc_end0:
.L_simem_size_0:
called_computation_lowered:
.L_overlay_start_0:
0x88: {  	s2 =	sld [smem:$0x3FD9]  }
0x89: {  	s3 =	sld [smem:$0x3FFE];
	_ =	sdelay $0x1  }
0x8a: {  	s1 =	srdreg.scid  }
0x8b: {  	s0 =	sand.u32 $0x1, s1  }
0x8c: {  	s17 =	sshll.u32 s0, $0xA;
	s2 =	sadd.s32 s3, s2  }
0x8d: {  	s2 =	sadd.s32 s2, s17  }
0x8e: {  	[smem:$0x3FC6] =	sst s2  }
0x8f: {  	_ = 	snop  }
0x90: {  	s2 =	sld [smem:$0x3FC8]  }
0x91: {  	s18 =	sld [smem:$0x3FD0];
	(tm) =	ssettm $0x1  }
0x92: {  	s4 =	sld [smem:$0x3FFB];
	_ =	sdelay $0x3  }
0x93: {  	_ =	strace s4  }
0x94: {  	s4 =	sld [smem:$0x3FFC];
	_ =	sdelay $0x3  }
0x95: {  	_ =	strace s4  }
0x96: {  	s4 =	sld [smem:$0x3FFD];
	_ =	sdelay $0x3  }
0x97: {  	_ =	strace s4  }
0x98: {  	_ =	strace $0x8FFFFFFF  }
0x99: {  	s19 =	sld [smem:$0x3FDB];
	_ =	sdelay $0x1  }
0x9a: {  	s5 =	simm.s32 $_scs_section_size  }
0x9b: {  	s6 =	simm.s32 $_size__tile_overlayer_lowered;
	s7 =	simm.s32 $_tile_overlayer_lowered  }
0x9c: {  	s22 =	simm.s32 $0x1BFF;
	s21 =	sshll.u32 s7, $0x1;
	s4 =	sadd.s32 s5, s19  }
0x9d: {  	s8 =	simm.s32 $0x0;
	s20 =	sshll.u32 s6, $0x1;
	s6 =	sadd.s32 s21, s4  }
0x9e: {  	[timem:s8], [sflag:s22] =	dma.local [hbm:s6], s20  }
0x9f: {  	_ =	swait.ge [sflag:s22], s20  }
0xa0: {  	s5 =	ssub.s32 $0x0, s20;
	[sflag:s22] =	ssyncset.done $0x0  }
0xa1: {  	[sflag:s22] =	ssyncadd.s32 s5;
	_ =	sdelay $0x1  }
0xa2: {  	s23 =	simm.s32 $0x1B8B  }
0xa3: {  	_ =	swait.ge [sflag:s23], $0x1  }
0xa4: {  	[sflag:s23] =	ssyncset.done $0x0  }
0xa5: {  	s25 =	simm.s32 $0x1B8E;
	s24 =	sld [smem:$0x3FFE];
	[sflag:s23] =	ssyncadd.s32 $0xFFFFFFFF  }
0xa6: {  	s26 =	simm.s32 $execute0_lowered;
	[smem:$0x3FD2] =	sst s25  }
0xa7: {  	s6 =	sshll.u32 s26, $0x1;
	_ =	strace $0x80000046;
	[dreg:$0x1] =	wrdreg $0xFFFFFFFF  }
0xa8: {  	s28 =	simm.s32 $_size_execute0_lowered;
	s4 =	sadd.s32 s4, s6;
	[dreg:$0x0] =	wrdreg $0x0  }
0xa9: {  	s6 =	sshll.u32 s28, $0x1;
	[dreg:$0x2] =	wrdreg s4  }
0xaa: {  	[dreg:$0x3] =	wrdreg s6  }
0xab: {  	[dreg:$0x4] =	wrdreg $0xC0  }
0xac: {  	_ =	task [dreg:s8], $0x5FFFF  }
0xad: {  	[dreg:$0x1] =	wrdreg $0xFFFFFFFF  }
0xae: {  	[dreg:$0x0] =	wrdreg $0x60  }
0xaf: {  	[dreg:$0x2] =	wrdreg s24  }
0xb0: {  	[dreg:$0x3] =	wrdreg s2  }
0xb1: {  	[dreg:$0x4] =	wrdreg s18  }
0xb2: {  	[dreg:$0x5] =	wrdreg $0x9  }
0xb3: {  	_ =	task.clear_ibuf [dreg:s8], $0x6FFFF;
	_ =	strace $0x90000046  }
0xb4: {  	s29 =	simm.s32 $0x9;
	_ =	strace $0x80000048  }
0xb5: {  	_ =	swait.ge [sflag:s29], $0x1  }
0xb6: {  	[sflag:s29] =	ssyncadd.s32 $0xFFFFFFFF  }
0xb7: {  	_ =	strace $0x90000048  }
0xb8: {  	_ =	sfence  }
0xb9: {  	s30 =	sld [smem:$0x0];
	_ =	sdelay $0x2  }
0xba: {  	s31 =	sshll.u32 s1, $0xD;
	s1 =	sshrl.u32 s1, $0x2  }
0xbb: {  	s3 =	sand.u32 $0x4000, s31;
	s1 =	sadd.s32 s1, s30  }
0xbc: {  	s0 =	sor.u32 s3, s0;
	s1 =	sshll.u32 s1, $0x11  }
0xbd: {  	s0 =	sor.u32 s1, s0  }
0xbe: {  	s0 =	sadd.s32 $0x8F2B, s0  }
0xbf: {  	[sflag:s0] =	ssyncadd.remote.s32 $0x1  }
0xc0: {  	_ =	sfence.sel $0xFFFF  }
0xc1: {  	[dreg:$0x0] =	wrdreg $0xFFFFFFFF;
	(pc) =	sbr.abs _section_cstart, $3  }
0xc2: {  	[dreg:$0x1] =	wrdreg $0xFFFFFFFF  }
0xc3: {  	_ =	task.clear_ibuf [dreg:s8], $0x2FFFF;
	_ =	strace $0x9FFFFFFF  }
0xc4: {  	(tm) =	ssettm $0x7FFFFFFF  }
0xc5: {  	_ =	shalt  }
tec
execute0_lowered:
.L_overlay_start_1:
0x0: {  	(tag) =	ssettag $0x1  }
0x1: {  	s0 =	srdreg.scid;
	s5 =	rddreg [dreg:$0x0]  }
0x2: {  	s13 =	stileid.u32;
	s2 =	rddreg [dreg:$0x1]  }
0x3: {  	s3 =	rddreg [dreg:$0x2];
	s4 =	simm.s32 $0x0;
	s22 =	smul.u32 $0x48000, s13  }
0x4: {  	s15 =	simm.s32 $0x480;
	s17 =	simm.s32 $0x13480;
	s12 =	smul.u32 $0x900, s13  }
0x5: {  	s0 =	sand.u32 $0x1, s0;
	s1 =	sshll.u32 s13, $0x1;
	s13 =	smul.u32 $0x240000, s13  }
0x6: {  	s18 =	simm.s32 $0x13C80;
	s28 =	simm.s32 $0x17480;
	s23 =	smul.u32 $0x24000, s0  }
0x7: {  	s29 =	simm.s32 $0x17C80;
	s30 =	simm.s32 $0x2;
	s24 =	smul.u32 $0x120000, s0  }
0x8: {  	s1 =	sor.u32 s0, s1;
	s19 =	ssub.s32 $0x2, s0;
	s0 =	smul.u32 $0x480, s0  }
0x9: {  	[smem:$0x7FF] =	sst s4;
	s6 =	smul.u32 $0x480, s1;
	s20 =	sshrl.u32 s19, $0x1  }
0xa: {  	_ =	strace $0x80000047;
	s10 =	smul.u32 $0x24000, s1;
	s11 =	ssub.s32 s19, s20  }
0xb: {  	s26 =	sadd.s32 s24, s13;
	s12 =	sadd.s32 s0, s12;
	s19 =	simm.s32 $0x1  }
0xc: {  	s20 =	simm.s32 $0x14480;
	s24 =	simm.s32 $0x15C80;
	s7 =	sshrl.u32 s6, $0xB  }
0xd: {  	p0 =	slt.u32 s6, $0x4800;
	s6 =	sshrl.u32 s6, $0x3;
	s11 =	smax.u32 s11, $0x1  }
0xe: {  	s10 =	sadd.s32 s3, s10;
	s31 =	sor.u32 $0xC000, s26;
	s26 =	simm.s32 $0x16C80  }
0xf: {  	s8 =	sadd.s32 $0xFFFFFFF7, s7;
	s5 =	sadd.s32 s6, s5;
	[dreg:$0x5] =	wrdreg s11  }
0x10: {  	s6 =	sadd.s32 $0x100, s2;
	s25 =	sadd.s32 $0x22000, s10;
	[dreg:$0x8] =	wrdreg s31  }
0x11: {  	s8 =	smov.u32 @p0 s7;
	s21 =	sadd.s32 $0x400, s5;
	s7 =	sadd.s32 $0x200, s2  }
0x12: {  	s5 =	sadd.s32 s22, s3;
	[dreg:$0x6] =	wrdreg s25;
	s9 =	smul.u32 $0x802, s8  }
.Ltmp0:
0x13: {  	s22 =	simm.s32 $0x15480;
	s25 =	simm.s32 $0x16480;
	(pc) =	sbr.rel .LBB2_1-.Ltmp0, $4  }
0x14: {  	[dreg:$0x4] =	wrdreg s21;
	p0 =	seq.s32 s8, $0x0;
	s8 =	sadd.s32 $0x300, s2  }
0x15: {  	v3 =	vlaneseq.u32;
	s5 =	sadd.s32 s23, s5;
	s23 =	simm.s32 $0x4480;
	s1 =	sadd.s32 $0x800, s9  }
0x16: {  	vm0 =	vmmov $0xffff;
	v1 =	vand.u32 $0x7, v3;
	v2 =	vshrl.u32 v3, $0x3;
	s21 =	simm.s32 $0x14C80;
	s5 =	sadd.s32 $0x1000, s5;
	s1 =	simm.s32 @p0 $0x0  }
0x17: {  	v3 =	vor.u32 $0x8, v3;
	v2 =	vmul.u32 $0x8, v2;
	[dreg:$0x7] =	wrdreg s5;
	s5 =	simm.s32 $0x10480;
	v0 =	vmov s1;
	s1 =	simm.s32 $0x0  }
.LBB2_6:
0x18: {  	_ =	swait.ge [sflag:s30], $0x4000  }
0x19: {  	[sflag:s30] =	ssyncset.done $0x0  }
0x1a: {  	[sflag:s30] =	ssyncadd.s32 $0xFFFFC000  }
0x1b: {  	_ =	swait.ge [sflag:s30], $0x4000  }
0x1c: {  	[sflag:s30] =	ssyncset.done $0x0  }
0x1d: {  	[sflag:s30] =	ssyncadd.s32 $0xFFFFC000  }
0x1e: {  	_ =	swait.ge [sflag:s30], $0x4000  }
0x1f: {  	[sflag:s30] =	ssyncset.done $0x0  }
0x20: {  	[sflag:s30] =	ssyncadd.s32 $0xFFFFC000  }
0x21: {  	_ =	swait.ge [sflag:s30], $0x4000  }
0x22: {  	[sflag:s30] =	ssyncset.done $0x0  }
0x23: {  	[sflag:s30] =	ssyncadd.s32 $0xFFFFC000  }
0x24: {  	_ =	swait.ge [sflag:s30], $0x4000  }
0x25: {  	[sflag:s30] =	ssyncset.done $0x0  }
0x26: {  	[sflag:s30] =	ssyncadd.s32 $0xFFFFC000  }
0x27: {  	_ =	swait.ge [sflag:s30], $0x4000  }
0x28: {  	s1 =	rddreg [dreg:$0x9]  }
0x29: {  	s0 =	rddreg [dreg:$0x5];
	s1 =	sadd.s32 $0x1, s1  }
0x2a: {  	p0 =	sne.s32 s1, s0  }
.Ltmp1:
0x2b: {  	_ = 	snop;
	(pc) =	sbr.rel @!p0 .LBB2_7-.Ltmp1, $3  }
0x2c: {  	_ =	sdelay $0x1  }
0x2d: {  	[sflag:s30] =	ssyncset.done $0x0  }
0x2e: {  	[sflag:s30] =	ssyncadd.s32 $0xFFFFC000  }
.LBB2_1:
0x2f: {  	[dreg:$0x9] =	wrdreg s1  }
0x30: {  	s0 =	rddreg [dreg:$0x4];
	s13 =	simm.s32 $0x3  }
0x31: {  	[tilespmem:s4], [sflag:$0x3] =	stream.linear.gather [hbm4b:s0+s4], $0x480, $0x38;
	[tilespmem:$0x18480] =	vst v63  }
0x32: {  	_ =	swait.ge [sflag:s13], $0x480  }
0x33: {  	[sflag:s13] =	ssyncset.done $0x0  }
0x34: {  	[sflag:s13] =	ssyncadd.s32 $0xFFFFFB80  }
0x35: {  	v4 =	vld [tilespmem:$0x0];
	_ =	sdelay $0x4  }
0x36: {  	v4 =	vadd.s32 v0, v4  }
0x37: {  	v5 =	vshll.u32 v4, $0x3  }
0x38: {  	v6 =	vand.u32 $0x7, v4;
	v5 =	vand.u32 $0xFFFFFFC0, v5  }
0x39: {  	v5 =	vor.u32 v6, v5  }
0x3a: {  	v6 =	vperm.xlane v5, v1;
	_ =	sdelay $0x1  }
0x3b: {  	v6 =	vadd.s32 v2, v6;
	_ =	sdelay $0x3  }
0x3c: {  	[tilespmem:$0x0] =	vst v4  }
0x3d: {  	[tilespmem:s15], [sflag:$0x1] =	stream.indirect_vreg.gather [hbm4b:s2+s4], $0x80, v6, vm0, $0xb8;
	[tilespmem:$0x18480] =	vst v63  }
0x3e: {  	s14 =	simm.s32 $0xC80;
	v4 =	vperm.xlane v5, v3  }
0x3f: {  	[tilespmem:s14], [sflag:$0x1] =	stream.indirect_vreg.gather [hbm4b:s6+s4], $0x80, v6, vm0, $0xb8;
	[tilespmem:$0x18480] =	vst v63  }
0x40: {  	s16 =	simm.s32 $0x1480;
	v4 =	vadd.s32 v2, v4  }
0x41: {  	[tilespmem:s16], [sflag:$0x1] =	stream.indirect_vreg.gather [hbm4b:s7+s4], $0x80, v6, vm0, $0xb8;
	[tilespmem:$0x18480] =	vst v63  }
0x42: {  	s1 =	simm.s32 $0x1C80  }
0x43: {  	[tilespmem:s1], [sflag:$0x1] =	stream.indirect_vreg.gather [hbm4b:s8+s4], $0x80, v6, vm0, $0xb8;
	[tilespmem:$0x18480] =	vst v63  }
0x44: {  	s9 =	simm.s32 $0x2480  }
0x45: {  	[tilespmem:s9], [sflag:$0x1] =	stream.indirect_vreg.gather [hbm4b:s2+s4], $0x80, v4, vm0, $0xb8;
	[tilespmem:$0x18480] =	vst v63  }
0x46: {  	s10 =	simm.s32 $0x2C80  }
0x47: {  	[tilespmem:s10], [sflag:$0x1] =	stream.indirect_vreg.gather [hbm4b:s6+s4], $0x80, v4, vm0, $0xb8;
	[tilespmem:$0x18480] =	vst v63  }
0x48: {  	s11 =	simm.s32 $0x3480  }
0x49: {  	[tilespmem:s11], [sflag:$0x1] =	stream.indirect_vreg.gather [hbm4b:s7+s4], $0x80, v4, vm0, $0xb8;
	[tilespmem:$0x18480] =	vst v63  }
0x4a: {  	s13 =	simm.s32 $0x3C80  }
0x4b: {  	[tilespmem:s13], [sflag:$0x1] =	stream.indirect_vreg.gather [hbm4b:s8+s4], $0x80, v4, vm0, $0xb8;
	[tilespmem:$0x18480] =	vst v63  }
0x4c: {  	v4 =	vld [tilespmem:$0x10];
	_ =	sdelay $0x4  }
0x4d: {  	v4 =	vadd.s32 v0, v4  }
0x4e: {  	v5 =	vshll.u32 v4, $0x3  }
0x4f: {  	v61 =	vand.u32 $0x7, v4;
	v5 =	vand.u32 $0xFFFFFFC0, v5  }
0x50: {  	v5 =	vor.u32 v61, v5  }
0x51: {  	v6 =	vperm.xlane v5, v1;
	_ =	sdelay $0x1  }
0x52: {  	v6 =	vadd.s32 v2, v6;
	_ =	sdelay $0x3  }
0x53: {  	[tilespmem:$0x10] =	vst v4  }
0x54: {  	[tilespmem:s23], [sflag:$0x1] =	stream.indirect_vreg.gather [hbm4b:s2+s4], $0x80, v6, vm0, $0xb8;
	[tilespmem:$0x18480] =	vst v63  }
0x55: {  	s14 =	simm.s32 $0x4C80;
	v4 =	vperm.xlane v5, v3  }
0x56: {  	[tilespmem:s14], [sflag:$0x1] =	stream.indirect_vreg.gather [hbm4b:s6+s4], $0x80, v6, vm0, $0xb8;
	[tilespmem:$0x18480] =	vst v63  }
0x57: {  	s16 =	simm.s32 $0x5480;
	v4 =	vadd.s32 v2, v4  }
0x58: {  	[tilespmem:s16], [sflag:$0x1] =	stream.indirect_vreg.gather [hbm4b:s7+s4], $0x80, v6, vm0, $0xb8;
	[tilespmem:$0x18480] =	vst v63  }
0x59: {  	s1 =	simm.s32 $0x5C80  }
0x5a: {  	[tilespmem:s1], [sflag:$0x1] =	stream.indirect_vreg.gather [hbm4b:s8+s4], $0x80, v6, vm0, $0xb8;
	[tilespmem:$0x18480] =	vst v63  }
0x5b: {  	s9 =	simm.s32 $0x6480  }
0x5c: {  	[tilespmem:s9], [sflag:$0x1] =	stream.indirect_vreg.gather [hbm4b:s2+s4], $0x80, v4, vm0, $0xb8;
	[tilespmem:$0x18480] =	vst v63  }
0x5d: {  	s10 =	simm.s32 $0x6C80  }
0x5e: {  	[tilespmem:s10], [sflag:$0x1] =	stream.indirect_vreg.gather [hbm4b:s6+s4], $0x80, v4, vm0, $0xb8;
	[tilespmem:$0x18480] =	vst v63  }
0x5f: {  	s11 =	simm.s32 $0x7480  }
0x60: {  	[tilespmem:s11], [sflag:$0x1] =	stream.indirect_vreg.gather [hbm4b:s7+s4], $0x80, v4, vm0, $0xb8;
	[tilespmem:$0x18480] =	vst v63  }
0x61: {  	s13 =	simm.s32 $0x7C80  }
0x62: {  	[tilespmem:s13], [sflag:$0x1] =	stream.indirect_vreg.gather [hbm4b:s8+s4], $0x80, v4, vm0, $0xb8;
	[tilespmem:$0x18480] =	vst v63  }
0x63: {  	v4 =	vld [tilespmem:$0x20];
	_ =	sdelay $0x4  }
0x64: {  	v4 =	vadd.s32 v0, v4  }
0x65: {  	v5 =	vshll.u32 v4, $0x3  }
0x66: {  	v62 =	vand.u32 $0x7, v4;
	v5 =	vand.u32 $0xFFFFFFC0, v5  }
0x67: {  	v5 =	vor.u32 v62, v5  }
0x68: {  	v6 =	vperm.xlane v5, v1;
	_ =	sdelay $0x1  }
0x69: {  	v6 =	vadd.s32 v2, v6;
	_ =	sdelay $0x3  }
0x6a: {  	s14 =	simm.s32 $0x8480;
	[tilespmem:$0x20] =	vst v4  }
0x6b: {  	[tilespmem:s14], [sflag:$0x1] =	stream.indirect_vreg.gather [hbm4b:s2+s4], $0x80, v6, vm0, $0xb8;
	[tilespmem:$0x18480] =	vst v63  }
0x6c: {  	s16 =	simm.s32 $0x8C80;
	v4 =	vperm.xlane v5, v3  }
0x6d: {  	[tilespmem:s16], [sflag:$0x1] =	stream.indirect_vreg.gather [hbm4b:s6+s4], $0x80, v6, vm0, $0xb8;
	[tilespmem:$0x18480] =	vst v63  }
0x6e: {  	s1 =	simm.s32 $0x9480;
	v4 =	vadd.s32 v2, v4  }
0x6f: {  	[tilespmem:s1], [sflag:$0x1] =	stream.indirect_vreg.gather [hbm4b:s7+s4], $0x80, v6, vm0, $0xb8;
	[tilespmem:$0x18480] =	vst v63  }
0x70: {  	s9 =	simm.s32 $0x9C80  }
0x71: {  	[tilespmem:s9], [sflag:$0x1] =	stream.indirect_vreg.gather [hbm4b:s8+s4], $0x80, v6, vm0, $0xb8;
	[tilespmem:$0x18480] =	vst v63  }
0x72: {  	s10 =	simm.s32 $0xA480  }
0x73: {  	[tilespmem:s10], [sflag:$0x1] =	stream.indirect_vreg.gather [hbm4b:s2+s4], $0x80, v4, vm0, $0xb8;
	[tilespmem:$0x18480] =	vst v63  }
0x74: {  	s11 =	simm.s32 $0xAC80  }
0x75: {  	[tilespmem:s11], [sflag:$0x1] =	stream.indirect_vreg.gather [hbm4b:s6+s4], $0x80, v4, vm0, $0xb8;
	[tilespmem:$0x18480] =	vst v63  }
0x76: {  	s13 =	simm.s32 $0xB480  }
0x77: {  	[tilespmem:s13], [sflag:$0x1] =	stream.indirect_vreg.gather [hbm4b:s7+s4], $0x80, v4, vm0, $0xb8;
	[tilespmem:$0x18480] =	vst v63  }
0x78: {  	s14 =	simm.s32 $0xBC80  }
0x79: {  	[tilespmem:s14], [sflag:$0x1] =	stream.indirect_vreg.gather [hbm4b:s8+s4], $0x80, v4, vm0, $0xb8;
	[tilespmem:$0x18480] =	vst v63  }
0x7a: {  	v4 =	vld [tilespmem:$0x30];
	_ =	sdelay $0x4  }
0x7b: {  	v4 =	vadd.s32 v0, v4  }
0x7c: {  	v5 =	vshll.u32 v4, $0x3  }
0x7d: {  	v63 =	vand.u32 $0x7, v4;
	v5 =	vand.u32 $0xFFFFFFC0, v5  }
0x7e: {  	v5 =	vor.u32 v63, v5  }
0x7f: {  	v6 =	vperm.xlane v5, v1;
	_ =	sdelay $0x1  }
0x80: {  	v6 =	vadd.s32 v2, v6;
	_ =	sdelay $0x3  }
0x81: {  	s16 =	simm.s32 $0xC480;
	[tilespmem:$0x30] =	vst v4  }
0x82: {  	[tilespmem:s16], [sflag:$0x1] =	stream.indirect_vreg.gather [hbm4b:s2+s4], $0x80, v6, vm0, $0xb8;
	[tilespmem:$0x18480] =	vst v63  }
0x83: {  	s1 =	simm.s32 $0xCC80;
	v4 =	vperm.xlane v5, v3  }
0x84: {  	[tilespmem:s1], [sflag:$0x1] =	stream.indirect_vreg.gather [hbm4b:s6+s4], $0x80, v6, vm0, $0xb8;
	[tilespmem:$0x18480] =	vst v63  }
0x85: {  	s9 =	simm.s32 $0xD480;
	v4 =	vadd.s32 v2, v4  }
0x86: {  	[tilespmem:s9], [sflag:$0x1] =	stream.indirect_vreg.gather [hbm4b:s7+s4], $0x80, v6, vm0, $0xb8;
	[tilespmem:$0x18480] =	vst v63  }
0x87: {  	s10 =	simm.s32 $0xDC80  }
0x88: {  	[tilespmem:s10], [sflag:$0x1] =	stream.indirect_vreg.gather [hbm4b:s8+s4], $0x80, v6, vm0, $0xb8;
	[tilespmem:$0x18480] =	vst v63  }
0x89: {  	s11 =	simm.s32 $0xE480  }
0x8a: {  	[tilespmem:s11], [sflag:$0x1] =	stream.indirect_vreg.gather [hbm4b:s2+s4], $0x80, v4, vm0, $0xb8;
	[tilespmem:$0x18480] =	vst v63  }
0x8b: {  	s13 =	simm.s32 $0xEC80  }
0x8c: {  	[tilespmem:s13], [sflag:$0x1] =	stream.indirect_vreg.gather [hbm4b:s6+s4], $0x80, v4, vm0, $0xb8;
	[tilespmem:$0x18480] =	vst v63  }
.Ltmp2:
0x8d: {  	_ = 	snop;
	(pc) =	sbr.rel .LBB2_2-.Ltmp2, $4  }
0x8e: {  	s31 =	simm.s32 $0x50;
	s14 =	simm.s32 $0xF480;
	s1 =	rddreg [dreg:$0x7]  }
0x8f: {  	[tilespmem:s14], [sflag:$0x1] =	stream.indirect_vreg.gather [hbm4b:s7+s4], $0x80, v4, vm0, $0xb8;
	[tilespmem:$0x18480] =	vst v63  }
0x90: {  	s16 =	simm.s32 $0xFC80;
	s9 =	simm.s32 $0x0;
	s10 =	rddreg [dreg:$0x8]  }
0x91: {  	[tilespmem:s16], [sflag:$0x1] =	stream.indirect_vreg.gather [hbm4b:s8+s4], $0x80, v4, vm0, $0xb8;
	[tilespmem:$0x18480] =	vst v63  }
.LBB2_4:
0x92: {  	_ =	swait.ge [sflag:s19], $0x4000  }
0x93: {  	[sflag:s19] =	ssyncset.done $0x0  }
0x94: {  	s11 =	simm.s32 $0x8480;
	s0 =	rddreg [dreg:$0x6];
	[sflag:s19] =	ssyncadd.s32 $0xFFFFC000  }
0x95: {  	[hbm4b:s0+s4] =	stream.linear.scatter [tilespmem:s11], [sflag:$0x2], $0x4000, $0x38;
	[tilespmem:$0x18480] =	vst v63  }
.LBB2_5:
0x96: {  	s0 =	sadd.s32 @!p0 s9, s12  }
0x97: {  	s11 =	sadd.s32 @!p0 $0x80, s0  }
0x98: {  	s11 =	sshrl.u32 @!p0 s11, $0xB  }
0x99: {  	_ =	swait.ge [sflag:s19], $0x4000;
	s13 =	smulhi.u32 @!p0 $0x1C71C71D, s11  }
0x9a: {  	s14 =	sshrl.u32 s10, $0x3;
	s16 =	simm.s32 $0xC480;
	[sflag:s19] =	ssyncset.done $0x0  }
0x9b: {  	s14 =	sadd.s32 s3, s14;
	[sflag:s19] =	ssyncadd.s32 $0xFFFFC000;
	s13 =	smul.u32 @!p0 $0x9, s13  }
0x9c: {  	[hbm4b:s14+s4] =	stream.linear.scatter [tilespmem:s16], [sflag:$0x2], $0x4000, $0x38;
	[tilespmem:$0x18480] =	vst v63  }
0x9d: {  	v4 =	vld @!p0 [tilespmem:s31+$0x30];
	s11 =	ssub.s32 @!p0 s11, s13  }
0x9e: {  	s13 =	smul.u32 @!p0 $0x802, s11  }
0x9f: {  	p1 =	seq.s32 @!p0 s11, $0x0  }
0xa0: {  	p1 =	por !p1, p0;
	s11 =	sadd.s32 @!p0 $0x800, s13  }
0xa1: {  	s11 =	simm.s32 @!p1 $0x0  }
0xa2: {  	v4 =	vadd.s32 @!p0 s11, v4  }
0xa3: {  	v5 =	vshll.u32 @!p0 v4, $0x3  }
0xa4: {  	v7 =	vlaneseq.u32 @!p0;
	v6 =	vand.u32 @!p0 $0x7, v4;
	v5 =	vand.u32 @!p0 $0xFFFFFFC0, v5  }
0xa5: {  	v8 =	vshrl.u32 @!p0 v7, $0x3;
	v5 =	vor.u32 @!p0 v6, v5;
	v6 =	vand.u32 @!p0 $0x7, v7  }
0xa6: {  	v8 =	vmul.u32 @!p0 $0x8, v8;
	v9 =	vperm.xlane @!p0 v5, v6;
	_ =	sdelay $0x1  }
0xa7: {  	v9 =	vadd.s32 @!p0 v8, v9  }
0xa8: {  	s13 =	simm.s32 @!p0 $0x2;
	[tilespmem:s31+$0x30] =	vst @!p0 v4  }
0xa9: {  	_ =	swait.ge @!p0 [sflag:s13], $0x4000  }
0xaa: {  	[sflag:s13] =	ssyncset.done @!p0 $0x0  }
0xab: {  	vm1 =	vmmov @!p0 $0xffff;
	s14 =	simm.s32 @!p0 $0x8480;
	s11 =	simm.s32 @!p0 $0x0;
	[sflag:s13] =	ssyncadd.s32 @!p0 $0xFFFFC000  }
0xac: {  	v4 =	vor.u32 @!p0 $0x8, v7;
	[tilespmem:s14], [sflag:$0x1] =	stream.indirect_vreg.gather @!p0 [hbm4b:s2+s11], $0x80, v9, vm1, $0xb8;
	[tilespmem:$0x18480] =	vst v63  }
0xad: {  	v5 =	vperm.xlane @!p0 v5, v4;
	s14 =	simm.s32 @!p0 $0x8C80  }
0xae: {  	[tilespmem:s14], [sflag:$0x1] =	stream.indirect_vreg.gather @!p0 [hbm4b:s6+s11], $0x80, v9, vm1, $0xb8;
	[tilespmem:$0x18480] =	vst v63  }
0xaf: {  	v5 =	vadd.s32 @!p0 v8, v5;
	s14 =	simm.s32 @!p0 $0x9480  }
0xb0: {  	[tilespmem:s14], [sflag:$0x1] =	stream.indirect_vreg.gather @!p0 [hbm4b:s7+s11], $0x80, v9, vm1, $0xb8;
	[tilespmem:$0x18480] =	vst v63  }
0xb1: {  	s14 =	simm.s32 @!p0 $0x9C80  }
0xb2: {  	[tilespmem:s14], [sflag:$0x1] =	stream.indirect_vreg.gather @!p0 [hbm4b:s8+s11], $0x80, v9, vm1, $0xb8;
	[tilespmem:$0x18480] =	vst v63  }
0xb3: {  	s14 =	simm.s32 @!p0 $0xA480  }
0xb4: {  	[tilespmem:s14], [sflag:$0x1] =	stream.indirect_vreg.gather @!p0 [hbm4b:s2+s11], $0x80, v5, vm1, $0xb8;
	[tilespmem:$0x18480] =	vst v63  }
0xb5: {  	s14 =	simm.s32 @!p0 $0xAC80  }
0xb6: {  	[tilespmem:s14], [sflag:$0x1] =	stream.indirect_vreg.gather @!p0 [hbm4b:s6+s11], $0x80, v5, vm1, $0xb8;
	[tilespmem:$0x18480] =	vst v63  }
0xb7: {  	s0 =	sadd.s32 @!p0 $0x90, s0;
	s14 =	simm.s32 @!p0 $0xB480  }
0xb8: {  	[tilespmem:s14], [sflag:$0x1] =	stream.indirect_vreg.gather @!p0 [hbm4b:s7+s11], $0x80, v5, vm1, $0xb8;
	[tilespmem:$0x18480] =	vst v63  }
0xb9: {  	s0 =	sshrl.u32 @!p0 s0, $0xB;
	s14 =	simm.s32 @!p0 $0xBC80  }
0xba: {  	[tilespmem:s14], [sflag:$0x1] =	stream.indirect_vreg.gather @!p0 [hbm4b:s8+s11], $0x80, v5, vm1, $0xb8;
	[tilespmem:$0x18480] =	vst v63  }
0xbb: {  	s16 =	smulhi.u32 @!p0 $0x1C71C71D, s0;
	s14 =	sadd.s32 $0x4000, s10;
	_ =	swait.ge [sflag:s19], $0x4000  }
0xbc: {  	s14 =	sshrl.u32 s14, $0x3;
	[sflag:s19] =	ssyncset.done $0x0  }
0xbd: {  	s16 =	smul.u32 @!p0 $0x9, s16;
	s14 =	sadd.s32 s3, s14;
	[sflag:s19] =	ssyncadd.s32 $0xFFFFC000  }
0xbe: {  	[hbm4b:s14+s4] =	stream.linear.scatter [tilespmem:s5], [sflag:$0x2], $0x4000, $0x38;
	[tilespmem:$0x18480] =	vst v63  }
0xbf: {  	s0 =	ssub.s32 @!p0 s0, s16;
	v5 =	vld @!p0 [tilespmem:s31+$0x40]  }
0xc0: {  	s14 =	smul.u32 @!p0 $0x802, s0  }
0xc1: {  	p1 =	seq.s32 @!p0 s0, $0x0  }
0xc2: {  	p1 =	por !p1, p0;
	s0 =	sadd.s32 @!p0 $0x800, s14  }
0xc3: {  	s0 =	simm.s32 @!p1 $0x0  }
0xc4: {  	v5 =	vadd.s32 @!p0 s0, v5  }
0xc5: {  	v7 =	vshll.u32 @!p0 v5, $0x3  }
0xc6: {  	v9 =	vand.u32 @!p0 $0x7, v5;
	v7 =	vand.u32 @!p0 $0xFFFFFFC0, v7  }
0xc7: {  	v7 =	vor.u32 @!p0 v9, v7  }
0xc8: {  	v6 =	vperm.xlane @!p0 v7, v6;
	_ =	sdelay $0x1  }
0xc9: {  	v6 =	vadd.s32 @!p0 v8, v6  }
0xca: {  	[tilespmem:s31+$0x40] =	vst @!p0 v5  }
0xcb: {  	_ =	swait.ge @!p0 [sflag:s13], $0x4000  }
0xcc: {  	[sflag:s13] =	ssyncset.done @!p0 $0x0  }
0xcd: {  	s0 =	simm.s32 @!p0 $0xC480;
	[sflag:s13] =	ssyncadd.s32 @!p0 $0xFFFFC000  }
0xce: {  	[tilespmem:s0], [sflag:$0x1] =	stream.indirect_vreg.gather @!p0 [hbm4b:s2+s11], $0x80, v6, vm1, $0xb8;
	[tilespmem:$0x18480] =	vst v63  }
0xcf: {  	v4 =	vperm.xlane @!p0 v7, v4;
	s0 =	simm.s32 @!p0 $0xCC80  }
0xd0: {  	[tilespmem:s0], [sflag:$0x1] =	stream.indirect_vreg.gather @!p0 [hbm4b:s6+s11], $0x80, v6, vm1, $0xb8;
	[tilespmem:$0x18480] =	vst v63  }
0xd1: {  	v4 =	vadd.s32 @!p0 v8, v4;
	s0 =	simm.s32 @!p0 $0xD480  }
0xd2: {  	[tilespmem:s0], [sflag:$0x1] =	stream.indirect_vreg.gather @!p0 [hbm4b:s7+s11], $0x80, v6, vm1, $0xb8;
	[tilespmem:$0x18480] =	vst v63  }
0xd3: {  	s0 =	simm.s32 @!p0 $0xDC80  }
0xd4: {  	[tilespmem:s0], [sflag:$0x1] =	stream.indirect_vreg.gather @!p0 [hbm4b:s8+s11], $0x80, v6, vm1, $0xb8;
	[tilespmem:$0x18480] =	vst v63  }
0xd5: {  	s0 =	simm.s32 @!p0 $0xE480  }
0xd6: {  	[tilespmem:s0], [sflag:$0x1] =	stream.indirect_vreg.gather @!p0 [hbm4b:s2+s11], $0x80, v4, vm1, $0xb8;
	[tilespmem:$0x18480] =	vst v63  }
0xd7: {  	s0 =	simm.s32 @!p0 $0xEC80  }
0xd8: {  	[tilespmem:s0], [sflag:$0x1] =	stream.indirect_vreg.gather @!p0 [hbm4b:s6+s11], $0x80, v4, vm1, $0xb8;
	[tilespmem:$0x18480] =	vst v63  }
0xd9: {  	s0 =	simm.s32 @!p0 $0xF480  }
0xda: {  	[tilespmem:s0], [sflag:$0x1] =	stream.indirect_vreg.gather @!p0 [hbm4b:s7+s11], $0x80, v4, vm1, $0xb8;
	[tilespmem:$0x18480] =	vst v63  }
0xdb: {  	s9 =	sadd.s32 $0x60, s9;
	s0 =	simm.s32 @!p0 $0xFC80  }
0xdc: {  	[tilespmem:s0], [sflag:$0x1] =	stream.indirect_vreg.gather @!p0 [hbm4b:s8+s11], $0x80, v4, vm1, $0xb8;
	[tilespmem:$0x18480] =	vst v63  }
0xdd: {  	p0 =	sne.s32 s9, $0x480  }
.Ltmp3:
0xde: {  	_ = 	snop;
	(pc) =	sbr.rel @!p0 .LBB2_6-.Ltmp3, $4  }
0xdf: {  	s1 =	sadd.s32 $0x3000, s1;
	s16 =	sadd.s32 $0x8000, s10;
	_ =	swait.ge [sflag:s19], $0x4000  }
0xe0: {  	s10 =	sadd.s32 $0x18000, s10;
	s0 =	sshrl.u32 s16, $0x3;
	[sflag:s19] =	ssyncset.done $0x0  }
0xe1: {  	s31 =	sadd.s32 $0x60, s31;
	s0 =	sadd.s32 s3, s0;
	[sflag:s19] =	ssyncadd.s32 $0xFFFFC000  }
0xe2: {  	[hbm4b:s0+s4] =	stream.linear.scatter [tilespmem:s20], [sflag:$0x2], $0x4000, $0x38;
	[tilespmem:$0x18480] =	vst v63  }
.LBB2_2:
0xe3: {  	s11 =	sadd.s32 s9, s12  }
0xe4: {  	s13 =	sadd.s32 $0x40, s11  }
0xe5: {  	s13 =	sshrl.u32 s13, $0xB  }
0xe6: {  	s14 =	smulhi.u32 $0x1C71C71D, s13;
	_ =	sdelay $0x1  }
0xe7: {  	s14 =	smul.u32 $0x9, s14;
	_ =	sdelay $0x1  }
0xe8: {  	v4 =	vld [tilespmem:s31+$0xFFFFFFF0];
	s13 =	ssub.s32 s13, s14  }
0xe9: {  	s14 =	smul.u32 $0x802, s13;
	_ =	sdelay $0x1  }
0xea: {  	p0 =	seq.s32 s13, $0x0;
	s13 =	sadd.s32 $0x800, s14  }
0xeb: {  	s13 =	simm.s32 @p0 $0x0  }
0xec: {  	v4 =	vadd.s32 s13, v4  }
0xed: {  	v5 =	vshll.u32 v4, $0x3  }
0xee: {  	v6 =	vand.u32 $0x7, v4;
	v5 =	vand.u32 $0xFFFFFFC0, v5  }
0xef: {  	v5 =	vor.u32 v6, v5  }
0xf0: {  	v6 =	vperm.xlane v5, v1;
	_ =	sdelay $0x1  }
0xf1: {  	p0 =	seq.s32 s9, $0x0;
	v6 =	vadd.s32 v2, v6  }
0xf2: {  	s13 =	simm.s32 @!p0 $0x2;
	[tilespmem:s31+$0xFFFFFFF0] =	vst v4  }
0xf3: {  	_ =	swait.ge @!p0 [sflag:s13], $0x4000  }
0xf4: {  	[sflag:s13] =	ssyncset.done @!p0 $0x0  }
0xf5: {  	[sflag:s13] =	ssyncadd.s32 @!p0 $0xFFFFC000  }
0xf6: {  	[tilespmem:s5], [sflag:$0x1] =	stream.indirect_vreg.gather [hbm4b:s2+s4], $0x80, v6, vm0, $0xb8;
	[tilespmem:$0x18480] =	vst v63  }
0xf7: {  	s0 =	simm.s32 $0x10C80;
	v4 =	vperm.xlane v5, v3  }
0xf8: {  	[tilespmem:s0], [sflag:$0x1] =	stream.indirect_vreg.gather [hbm4b:s6+s4], $0x80, v6, vm0, $0xb8;
	[tilespmem:$0x18480] =	vst v63  }
0xf9: {  	s14 =	simm.s32 $0x11480;
	v4 =	vadd.s32 v2, v4  }
0xfa: {  	[tilespmem:s14], [sflag:$0x1] =	stream.indirect_vreg.gather [hbm4b:s7+s4], $0x80, v6, vm0, $0xb8;
	[tilespmem:$0x18480] =	vst v63  }
0xfb: {  	s16 =	simm.s32 $0x11C80  }
0xfc: {  	[tilespmem:s16], [sflag:$0x1] =	stream.indirect_vreg.gather [hbm4b:s8+s4], $0x80, v6, vm0, $0xb8;
	[tilespmem:$0x18480] =	vst v63  }
0xfd: {  	s14 =	simm.s32 $0x12480  }
0xfe: {  	[tilespmem:s14], [sflag:$0x1] =	stream.indirect_vreg.gather [hbm4b:s2+s4], $0x80, v4, vm0, $0xb8;
	[tilespmem:$0x18480] =	vst v63  }
0xff: {  	s16 =	simm.s32 $0x12C80  }
0x100: {  	[tilespmem:s16], [sflag:$0x1] =	stream.indirect_vreg.gather [hbm4b:s6+s4], $0x80, v4, vm0, $0xb8;
	[tilespmem:$0x18480] =	vst v63  }
0x101: {  	s0 =	sadd.s32 $0x50, s11  }
0x102: {  	[tilespmem:s17], [sflag:$0x1] =	stream.indirect_vreg.gather [hbm4b:s7+s4], $0x80, v4, vm0, $0xb8;
	[tilespmem:$0x18480] =	vst v63  }
0x103: {  	s14 =	sshrl.u32 s0, $0xB  }
0x104: {  	[tilespmem:s18], [sflag:$0x1] =	stream.indirect_vreg.gather [hbm4b:s8+s4], $0x80, v4, vm0, $0xb8;
	[tilespmem:$0x18480] =	vst v63  }
0x105: {  	s16 =	smulhi.u32 $0x1C71C71D, s14;
	_ =	swait.ge [sflag:s19], $0x4000  }
0x106: {  	[sflag:s19] =	ssyncset.done $0x0  }
0x107: {  	s0 =	sadd.s32 $0xFFFFF000, s1;
	s16 =	smul.u32 $0x9, s16;
	[sflag:s19] =	ssyncadd.s32 $0xFFFFC000  }
0x108: {  	[hbm4b:s0+s4] =	stream.linear.scatter [tilespmem:s15], [sflag:$0x2], $0x4000, $0x38;
	[tilespmem:$0x18480] =	vst v63  }
0x109: {  	s16 =	ssub.s32 s14, s16;
	v4 =	vld [tilespmem:s31+$0x0]  }
0x10a: {  	s14 =	smul.u32 $0x802, s16;
	_ =	sdelay $0x1  }
0x10b: {  	p1 =	seq.s32 s16, $0x0;
	s0 =	sadd.s32 $0x800, s14  }
0x10c: {  	s0 =	simm.s32 @p1 $0x0  }
0x10d: {  	v4 =	vadd.s32 s0, v4  }
0x10e: {  	v5 =	vshll.u32 v4, $0x3  }
0x10f: {  	v63 =	vand.u32 $0x7, v4;
	v5 =	vand.u32 $0xFFFFFFC0, v5  }
0x110: {  	v5 =	vor.u32 v63, v5  }
0x111: {  	v6 =	vperm.xlane v5, v1;
	_ =	sdelay $0x1  }
0x112: {  	v6 =	vadd.s32 v2, v6  }
0x113: {  	[tilespmem:s31+$0x0] =	vst v4  }
0x114: {  	_ =	swait.ge @!p0 [sflag:s13], $0x4000  }
0x115: {  	[sflag:s13] =	ssyncset.done @!p0 $0x0  }
0x116: {  	[sflag:s13] =	ssyncadd.s32 @!p0 $0xFFFFC000  }
0x117: {  	[tilespmem:s20], [sflag:$0x1] =	stream.indirect_vreg.gather [hbm4b:s2+s4], $0x80, v6, vm0, $0xb8;
	[tilespmem:$0x18480] =	vst v63  }
0x118: {  	v4 =	vperm.xlane v5, v3  }
0x119: {  	[tilespmem:s21], [sflag:$0x1] =	stream.indirect_vreg.gather [hbm4b:s6+s4], $0x80, v6, vm0, $0xb8;
	[tilespmem:$0x18480] =	vst v63  }
0x11a: {  	v4 =	vadd.s32 v2, v4  }
0x11b: {  	[tilespmem:s22], [sflag:$0x1] =	stream.indirect_vreg.gather [hbm4b:s7+s4], $0x80, v6, vm0, $0xb8;
	[tilespmem:$0x18480] =	vst v63  }
0x11c: {  	_ = 	snop  }
0x11d: {  	[tilespmem:s24], [sflag:$0x1] =	stream.indirect_vreg.gather [hbm4b:s8+s4], $0x80, v6, vm0, $0xb8;
	[tilespmem:$0x18480] =	vst v63  }
0x11e: {  	_ = 	snop  }
0x11f: {  	[tilespmem:s25], [sflag:$0x1] =	stream.indirect_vreg.gather [hbm4b:s2+s4], $0x80, v4, vm0, $0xb8;
	[tilespmem:$0x18480] =	vst v63  }
0x120: {  	_ = 	snop  }
0x121: {  	[tilespmem:s26], [sflag:$0x1] =	stream.indirect_vreg.gather [hbm4b:s6+s4], $0x80, v4, vm0, $0xb8;
	[tilespmem:$0x18480] =	vst v63  }
0x122: {  	_ = 	snop  }
0x123: {  	[tilespmem:s28], [sflag:$0x1] =	stream.indirect_vreg.gather [hbm4b:s7+s4], $0x80, v4, vm0, $0xb8;
	[tilespmem:$0x18480] =	vst v63  }
0x124: {  	p0 =	seq.s32 s9, $0x420  }
0x125: {  	[tilespmem:s29], [sflag:$0x1] =	stream.indirect_vreg.gather [hbm4b:s8+s4], $0x80, v4, vm0, $0xb8;
	[tilespmem:$0x18480] =	vst v63  }
.Ltmp4:
0x126: {  	_ = 	snop;
	(pc) =	sbr.rel @p0 .LBB2_4-.Ltmp4, $4  }
0x127: {  	_ =	swait.ge [sflag:s19], $0x4000  }
0x128: {  	[sflag:s19] =	ssyncset.done $0x0  }
0x129: {  	s16 =	sadd.s32 $0xFFFFF800, s1;
	[sflag:s19] =	ssyncadd.s32 $0xFFFFC000  }
0x12a: {  	[hbm4b:s16+s4] =	stream.linear.scatter [tilespmem:s23], [sflag:$0x2], $0x4000, $0x38;
	[tilespmem:$0x18480] =	vst v63  }
0x12b: {  	s0 =	sadd.s32 $0x60, s11  }
0x12c: {  	s0 =	sshrl.u32 s0, $0xB  }
0x12d: {  	s13 =	smulhi.u32 $0x1C71C71D, s0;
	_ =	sdelay $0x1  }
0x12e: {  	s13 =	smul.u32 $0x9, s13;
	_ =	sdelay $0x1  }
0x12f: {  	v4 =	vld [tilespmem:s31+$0x10];
	s0 =	ssub.s32 s0, s13  }
0x130: {  	s13 =	smul.u32 $0x802, s0;
	_ =	sdelay $0x1  }
0x131: {  	p1 =	seq.s32 s0, $0x0;
	s0 =	sadd.s32 $0x800, s13  }
0x132: {  	s0 =	simm.s32 @p1 $0x0  }
0x133: {  	v4 =	vadd.s32 s0, v4  }
0x134: {  	v5 =	vshll.u32 v4, $0x3  }
0x135: {  	v6 =	vand.u32 $0x7, v4;
	v5 =	vand.u32 $0xFFFFFFC0, v5  }
0x136: {  	v5 =	vor.u32 v6, v5  }
0x137: {  	v6 =	vperm.xlane v5, v1;
	_ =	sdelay $0x1  }
0x138: {  	v6 =	vadd.s32 v2, v6  }
0x139: {  	[tilespmem:s31+$0x10] =	vst v4  }
0x13a: {  	_ =	swait.ge [sflag:s30], $0x4000  }
0x13b: {  	[sflag:s30] =	ssyncset.done $0x0  }
0x13c: {  	[sflag:s30] =	ssyncadd.s32 $0xFFFFC000  }
0x13d: {  	[tilespmem:s15], [sflag:$0x1] =	stream.indirect_vreg.gather [hbm4b:s2+s4], $0x80, v6, vm0, $0xb8;
	[tilespmem:$0x18480] =	vst v63  }
0x13e: {  	s16 =	simm.s32 $0xC80;
	v4 =	vperm.xlane v5, v3  }
0x13f: {  	[tilespmem:s16], [sflag:$0x1] =	stream.indirect_vreg.gather [hbm4b:s6+s4], $0x80, v6, vm0, $0xb8;
	[tilespmem:$0x18480] =	vst v63  }
0x140: {  	s13 =	simm.s32 $0x1480;
	v4 =	vadd.s32 v2, v4  }
0x141: {  	[tilespmem:s13], [sflag:$0x1] =	stream.indirect_vreg.gather [hbm4b:s7+s4], $0x80, v6, vm0, $0xb8;
	[tilespmem:$0x18480] =	vst v63  }
0x142: {  	s14 =	simm.s32 $0x1C80  }
0x143: {  	[tilespmem:s14], [sflag:$0x1] =	stream.indirect_vreg.gather [hbm4b:s8+s4], $0x80, v6, vm0, $0xb8;
	[tilespmem:$0x18480] =	vst v63  }
0x144: {  	s16 =	simm.s32 $0x2480  }
0x145: {  	[tilespmem:s16], [sflag:$0x1] =	stream.indirect_vreg.gather [hbm4b:s2+s4], $0x80, v4, vm0, $0xb8;
	[tilespmem:$0x18480] =	vst v63  }
0x146: {  	s13 =	simm.s32 $0x2C80  }
0x147: {  	[tilespmem:s13], [sflag:$0x1] =	stream.indirect_vreg.gather [hbm4b:s6+s4], $0x80, v4, vm0, $0xb8;
	[tilespmem:$0x18480] =	vst v63  }
0x148: {  	s14 =	simm.s32 $0x3480;
	s13 =	sadd.s32 $0x70, s11  }
0x149: {  	[tilespmem:s14], [sflag:$0x1] =	stream.indirect_vreg.gather [hbm4b:s7+s4], $0x80, v4, vm0, $0xb8;
	[tilespmem:$0x18480] =	vst v63  }
0x14a: {  	s16 =	simm.s32 $0x3C80;
	s0 =	sshrl.u32 s13, $0xB  }
0x14b: {  	[tilespmem:s16], [sflag:$0x1] =	stream.indirect_vreg.gather [hbm4b:s8+s4], $0x80, v4, vm0, $0xb8;
	[tilespmem:$0x18480] =	vst v63  }
0x14c: {  	s14 =	smulhi.u32 $0x1C71C71D, s0;
	_ =	swait.ge [sflag:s19], $0x4000  }
0x14d: {  	[sflag:s19] =	ssyncset.done $0x0  }
0x14e: {  	s11 =	smul.u32 $0x9, s14;
	s16 =	simm.s32 $0x8480;
	[sflag:s19] =	ssyncadd.s32 $0xFFFFC000  }
0x14f: {  	[hbm4b:s1+s4] =	stream.linear.scatter [tilespmem:s16], [sflag:$0x2], $0x4000, $0x38;
	[tilespmem:$0x18480] =	vst v63  }
0x150: {  	s0 =	ssub.s32 s0, s11;
	v4 =	vld [tilespmem:s31+$0x20]  }
0x151: {  	s11 =	smul.u32 $0x802, s0;
	_ =	sdelay $0x1  }
0x152: {  	p1 =	seq.s32 s0, $0x0;
	s0 =	sadd.s32 $0x800, s11  }
0x153: {  	s0 =	simm.s32 @p1 $0x0  }
0x154: {  	v4 =	vadd.s32 s0, v4  }
0x155: {  	v5 =	vshll.u32 v4, $0x3  }
0x156: {  	v63 =	vand.u32 $0x7, v4;
	v5 =	vand.u32 $0xFFFFFFC0, v5  }
0x157: {  	v5 =	vor.u32 v63, v5  }
0x158: {  	v6 =	vperm.xlane v5, v1;
	_ =	sdelay $0x1  }
0x159: {  	v6 =	vadd.s32 v2, v6  }
0x15a: {  	[tilespmem:s31+$0x20] =	vst v4  }
0x15b: {  	_ =	swait.ge [sflag:s30], $0x4000  }
0x15c: {  	[sflag:s30] =	ssyncset.done $0x0  }
0x15d: {  	[sflag:s30] =	ssyncadd.s32 $0xFFFFC000  }
0x15e: {  	[tilespmem:s23], [sflag:$0x1] =	stream.indirect_vreg.gather [hbm4b:s2+s4], $0x80, v6, vm0, $0xb8;
	[tilespmem:$0x18480] =	vst v63  }
0x15f: {  	s13 =	simm.s32 $0x4C80;
	v4 =	vperm.xlane v5, v3  }
0x160: {  	[tilespmem:s13], [sflag:$0x1] =	stream.indirect_vreg.gather [hbm4b:s6+s4], $0x80, v6, vm0, $0xb8;
	[tilespmem:$0x18480] =	vst v63  }
0x161: {  	s14 =	simm.s32 $0x5480;
	v4 =	vadd.s32 v2, v4  }
0x162: {  	[tilespmem:s14], [sflag:$0x1] =	stream.indirect_vreg.gather [hbm4b:s7+s4], $0x80, v6, vm0, $0xb8;
	[tilespmem:$0x18480] =	vst v63  }
0x163: {  	s16 =	simm.s32 $0x5C80  }
0x164: {  	[tilespmem:s16], [sflag:$0x1] =	stream.indirect_vreg.gather [hbm4b:s8+s4], $0x80, v6, vm0, $0xb8;
	[tilespmem:$0x18480] =	vst v63  }
0x165: {  	s11 =	simm.s32 $0x6480  }
0x166: {  	[tilespmem:s11], [sflag:$0x1] =	stream.indirect_vreg.gather [hbm4b:s2+s4], $0x80, v4, vm0, $0xb8;
	[tilespmem:$0x18480] =	vst v63  }
0x167: {  	s13 =	simm.s32 $0x6C80  }
0x168: {  	[tilespmem:s13], [sflag:$0x1] =	stream.indirect_vreg.gather [hbm4b:s6+s4], $0x80, v4, vm0, $0xb8;
	[tilespmem:$0x18480] =	vst v63  }
.Ltmp5:
0x169: {  	_ = 	snop;
	(pc) =	sbr.rel .LBB2_5-.Ltmp5, $4  }
0x16a: {  	s14 =	simm.s32 $0x7480  }
0x16b: {  	[tilespmem:s14], [sflag:$0x1] =	stream.indirect_vreg.gather [hbm4b:s7+s4], $0x80, v4, vm0, $0xb8;
	[tilespmem:$0x18480] =	vst v63  }
0x16c: {  	s16 =	simm.s32 $0x7C80  }
0x16d: {  	[tilespmem:s16], [sflag:$0x1] =	stream.indirect_vreg.gather [hbm4b:s8+s4], $0x80, v4, vm0, $0xb8;
	[tilespmem:$0x18480] =	vst v63  }
.LBB2_7:
0x16e: {  	_ =	sfence.sel $0x180000  }
0x16f: {  	[bflag:$0x0] =	sbarrier.arrive $0xFFFF  }
0x170: {  	_ =	strace $0x90000047  }
0x171: {  	s0 =	stileid.u32;
	[bflag:$0x2] =	sbarrier.arrive $0xFFFF  }
0x172: {  	p0 =	sne.s32 s0, $0x0;
	s0 =	rddreg [dreg:$0x3]  }
0x173: {  	s0 =	sadd.s32 @!p0 $0x100000, s0  }
0x174: {  	[sflag:s0] =	ssyncadd.tile.s32 @!p0 $0x1;
	_ =	shalt  }
.Lfunc_end2:
_tile_overlayer_lowered:
.L_overlay_start_2:
0x175: {  	(tag) =	ssettag $0x2  }
0x176: {  	s0 =	rddreg [dreg:$0x0];
	s2 =	stileid.u32  }
0x177: {  	s1 =	rddreg [dreg:$0x1];
	p0 =	sne.s32 s2, $0x0  }
0x178: {  	s3 =	rddreg [dreg:$0x2];
	[bflag:$0x3] =	sbarrier.arrive $0xFFFF;
	s2 =	simm.s32 @!p0 $0x1C03  }
0x179: {  	[timem:s3], [sflag:s2] =	dma.local @!p0 [hbm:s0], s1  }
0x17a: {  	s0 =	simm.s32 @!p0 $0x3  }
0x17b: {  	_ =	swait.ge @!p0 [sflag:s0], s1  }
0x17c: {  	s1 =	ssub.s32 @!p0 $0x0, s1;
	[sflag:s0] =	ssyncset.done @!p0 $0x0  }
0x17d: {  	[sflag:s0] =	ssyncadd.s32 @!p0 s1  }
0x17e: {  	[bflag:$0x3] =	sbarrier.arrive $0xFFFF  }
0x17f: {  	_ =	shalt  }

</sc_bundles>
